<compile_context>
chip_gen: v7x
topology: tpu7x:2x2x1
jax: 0.10.2.dev20260603
libtpu: 0.0.44.dev20260713+nightly
codegen_flags: <defaults>
</compile_context>

<pallas_src>
import jax
import jax.numpy as jnp
from jax.experimental import pallas as pl
from jax.experimental.pallas import tpu as pltpu

_CB = 4
_OD = 3


def _softmax_t_kernel(a_ref, att_ref):
    a = a_ref[...]
    m = jnp.max(a, axis=1, keepdims=True)
    e = jnp.exp(a - m)
    att_ref[...] = (e / jnp.sum(e, axis=1, keepdims=True)).T


def _mm_kernel(att_ref, x_ref, o_ref, obuf, outsem):
    nb = x_ref.shape[0]
    ncb = o_ref.shape[0] // _CB
    i = pl.program_id(0)
    attT = att_ref[...]
    slot = jax.lax.rem(i, _OD)

    def out_copy(j, s, cc):
        return pltpu.make_async_copy(
            obuf.at[s, cc], o_ref.at[j * _CB + cc], outsem.at[s])

    @pl.when(i >= _OD)
    def _():
        for cc in range(_CB):
            out_copy(i - _OD, slot, cc).wait()

    for cc in range(_CB):
        for nn in range(nb):
            obuf[slot, cc, nn] = jnp.dot(
                x_ref[nn, cc], attT, preferred_element_type=jnp.float32)

    for cc in range(_CB):
        out_copy(i, slot, cc).start()

    @pl.when(i == ncb - 1)
    def _():
        for k in range(_OD):
            j = ncb - _OD + k
            for cc in range(_CB):
                out_copy(j, j % _OD, cc).wait()


def kernel(x, edge_list):
    n, c, v, l = x.shape
    xT = jnp.swapaxes(x, 2, 3)

    attT = pl.pallas_call(
        _softmax_t_kernel,
        out_shape=jax.ShapeDtypeStruct((v, v), jnp.float32),
    )(edge_list)

    ncb = c // _CB
    ot = pl.pallas_call(
        _mm_kernel,
        grid=(ncb,),
        in_specs=[
            pl.BlockSpec((v, v), lambda i: (0, 0)),
            pl.BlockSpec((n, _CB, l, v), lambda i: (0, i, 0, 0)),
        ],
        out_specs=pl.BlockSpec(memory_space=pltpu.MemorySpace.HBM),
        out_shape=jax.ShapeDtypeStruct((c, n, l, v), jnp.float32),
        scratch_shapes=[
            pltpu.VMEM((_OD, _CB, n, l, v), jnp.float32),
            pltpu.SemaphoreType.DMA((_OD,)),
        ],
        compiler_params=pltpu.CompilerParams(
            dimension_semantics=("arbitrary",),
        ),
    )(attT, xT)
    return jnp.transpose(ot, (0, 1, 3, 2)).reshape(c, n * v, l)

# --- scband reference (transcript-rebuilt; emitter-appended) ---
"""Pipeline reference for scband-gat0-69406671503476 (READ-ONLY COPY).

The authoritative reference and input builder live on the scoring server;
editing this copy changes nothing except your own understanding.
"""

import jax, jax.numpy as jnp
import numpy as np

# GATConv config (order=2, support_len=1, dropout=0.0 -> identity, eval semantics)
ORDER = 2

N, C, V, L = 16, 64, 256, 64


def nconv(x, A):
    # torch.einsum('ncvl,vw->ncwl', (x, A))
    return jnp.einsum('ncvl,vw->ncwl', x, A)


def setup_inputs(seed: int = 0) -> dict:
    key = jax.random.key(seed)
    k1, k2 = jax.random.split(key)
    x = jax.random.normal(k1, (N, C, V, L), dtype=jnp.float32)
    edge_list = jax.random.uniform(k2, (V, V), dtype=jnp.float32)
    return {"x": x, "edge_list": edge_list}


def reference(x, edge_list):
    # Faithful translation of GATConv.forward with edge_lists=[edge_list],
    # order=2, dropout=0.0 (F.dropout with p=0 is identity).
    out = [x]
    h_primes = []
    A = edge_list
    h1 = [x]
    x1 = nconv(x, A)
    out.append(x1)
    h_prime = None
    for k in range(2, ORDER + 1):
        x2 = nconv(x1, A)
        out.append(x2)
        x1 = x2
        h = jnp.concatenate(h1, axis=1)  # == x
        # (dead-code a_input construction from nonzero edge indices is skipped;
        #  it is never used downstream and OOMs/IndexErrors in the original)
        attention = jax.nn.softmax(A, axis=1)  # F.softmax(edge_list, dim=1)
        # torch.matmul(attention [V,V], h [N,C,V,L]) -> broadcast batched matmul
        h_prime = jnp.einsum('vw,ncwl->ncvl', attention, h)
        h_primes.append(h_prime)
    # torch.cat(h_prime, dim=1): iterating a tensor yields its dim-0 slices,
    # concatenated along dim 1 -> [C, N*V, L]
    n, c, v, l = h_prime.shape
    return jnp.transpose(h_prime, (1, 0, 2, 3)).reshape(c, n * v, l)

if __name__ == "__main__":
    import jax
    _d = setup_inputs()
    print(jax.jit(kernel)(*tuple(_d.values())))

</pallas_src>

<mosaic_0001>
module attributes {stable_mosaic.version = 14 : i64} {
  func.func @_mm_kernel(%arg0: i32, %arg1: memref<256x256xf32, #tpu.memory_space<vmem>>, %arg2: memref<16x4x64x256xf32, #tpu.memory_space<vmem>>, %arg3: memref<64x16x64x256xf32, #tpu.memory_space<hbm>>, %arg4: memref<3x4x16x64x256xf32, #tpu.memory_space<vmem>>, %arg5: memref<3x!tpu.dma_semaphore, #tpu.memory_space<semaphore_mem>>) attributes {dimension_semantics = [#tpu.dimension_semantics<arbitrary>], iteration_bounds = array<i64: 16>, scalar_prefetch = 0 : i64, scratch_operands = 2 : i64, tpu.core_type = #tpu.core_type<tc>, window_params = [{pipeline_mode = #tpu.pipeline_mode<synchronous>, transform_indices = @transform_0, window_bounds = array<i64: 256, 256>}, {transform_indices = @transform_1, window_bounds = array<i64: 16, 4, 64, 256>}, {}]} {
    %get3A = arith.constant 0 : index
    %get3A_0 = arith.constant 0 : index
    %get3A_1 = vector.load %arg1[%get3A, %get3A_0] : memref<256x256xf32, #tpu.memory_space<vmem>>, vector<256x256xf32>
    %rem3A = arith.constant 3 : i32
    %rem3A_2 = arith.remsi %arg0, %rem3A : i32
    %ge3A = arith.constant 3 : i32
    %ge3A_3 = arith.cmpi sge, %arg0, %ge3A : i32
    %convert_element_type3A = arith.extui %ge3A_3 : i1 to i32
    %cond3A = arith.constant 0 : i32
    %cond3A_4 = arith.cmpi ne, %convert_element_type3A, %cond3A : i32
    scf.if %cond3A_4 {
      %sub3A = arith.constant 3 : i32
      %sub3A_1096 = arith.subi %arg0, %sub3A : i32
      %mul3A_1097 = arith.constant 4 : i32
      %mul3A_1098 = arith.muli %sub3A_1096, %mul3A_1097 : i32
      %add3A_1099 = arith.constant 0 : i32
      %add3A_1100 = arith.addi %mul3A_1098, %add3A_1099 : i32
      %dma_wait3A = arith.constant 0 : i32
      %dma_wait3A_1101 = tpu.memref_slice %arg5[%rem3A_2] : memref<3x!tpu.dma_semaphore, #tpu.memory_space<semaphore_mem>> -> memref<1x!tpu.dma_semaphore, #tpu.memory_space<semaphore_mem>>
      %dma_wait3A_1102 = tpu.memref_squeeze %dma_wait3A_1101 : memref<1x!tpu.dma_semaphore, #tpu.memory_space<semaphore_mem>> -> memref<!tpu.dma_semaphore, #tpu.memory_space<semaphore_mem>>
      %dma_wait3A_1103 = arith.constant 0 : i32
      %dma_wait3A_1104 = arith.constant 0 : i32
      %dma_wait3A_1105 = arith.constant 0 : i32
      %dma_wait3A_1106 = tpu.memref_slice %arg3[%add3A_1100, %dma_wait3A_1103, %dma_wait3A_1104, %dma_wait3A_1105] : memref<64x16x64x256xf32, #tpu.memory_space<hbm>> -> memref<1x16x64x256xf32, #tpu.memory_space<hbm>>
      %dma_wait3A_1107 = tpu.memref_squeeze %dma_wait3A_1106 : memref<1x16x64x256xf32, #tpu.memory_space<hbm>> -> memref<16x64x256xf32, #tpu.memory_space<hbm>>
      %dma_wait3A_1108 = arith.constant 0 : i32
      %dma_wait3A_1109 = arith.constant 0 : i32
      %dma_wait3A_1110 = arith.constant 0 : i32
      %dma_wait3A_1111 = tpu.memref_slice %arg4[%rem3A_2, %dma_wait3A, %dma_wait3A_1108, %dma_wait3A_1109, %dma_wait3A_1110] : memref<3x4x16x64x256xf32, #tpu.memory_space<vmem>> -> memref<1x1x16x64x256xf32, #tpu.memory_space<vmem>>
      %dma_wait3A_1112 = tpu.memref_squeeze %dma_wait3A_1111 : memref<1x1x16x64x256xf32, #tpu.memory_space<vmem>> -> memref<16x64x256xf32, #tpu.memory_space<vmem>>
      tpu.wait_dma2 semaphore(%dma_wait3A_1102 : memref<!tpu.dma_semaphore, #tpu.memory_space<semaphore_mem>>) src(%dma_wait3A_1112 : memref<16x64x256xf32, #tpu.memory_space<vmem>>) dst(%dma_wait3A_1107 : memref<16x64x256xf32, #tpu.memory_space<hbm>>)
      %sub3A_1113 = arith.constant 3 : i32
      %sub3A_1114 = arith.subi %arg0, %sub3A_1113 : i32
      %mul3A_1115 = arith.constant 4 : i32
      %mul3A_1116 = arith.muli %sub3A_1114, %mul3A_1115 : i32
      %add3A_1117 = arith.constant 1 : i32
      %add3A_1118 = arith.addi %mul3A_1116, %add3A_1117 : i32
      %dma_wait3A_1119 = arith.constant 1 : i32
      %dma_wait3A_1120 = tpu.memref_slice %arg5[%rem3A_2] : memref<3x!tpu.dma_semaphore, #tpu.memory_space<semaphore_mem>> -> memref<1x!tpu.dma_semaphore, #tpu.memory_space<semaphore_mem>>
      %dma_wait3A_1121 = tpu.memref_squeeze %dma_wait3A_1120 : memref<1x!tpu.dma_semaphore, #tpu.memory_space<semaphore_mem>> -> memref<!tpu.dma_semaphore, #tpu.memory_space<semaphore_mem>>
      %dma_wait3A_1122 = arith.constant 0 : i32
      %dma_wait3A_1123 = arith.constant 0 : i32
      %dma_wait3A_1124 = arith.constant 0 : i32
      %dma_wait3A_1125 = tpu.memref_slice %arg3[%add3A_1118, %dma_wait3A_1122, %dma_wait3A_1123, %dma_wait3A_1124] : memref<64x16x64x256xf32, #tpu.memory_space<hbm>> -> memref<1x16x64x256xf32, #tpu.memory_space<hbm>>
      %dma_wait3A_1126 = tpu.memref_squeeze %dma_wait3A_1125 : memref<1x16x64x256xf32, #tpu.memory_space<hbm>> -> memref<16x64x256xf32, #tpu.memory_space<hbm>>
      %dma_wait3A_1127 = arith.constant 0 : i32
      %dma_wait3A_1128 = arith.constant 0 : i32
      %dma_wait3A_1129 = arith.constant 0 : i32
      %dma_wait3A_1130 = tpu.memref_slice %arg4[%rem3A_2, %dma_wait3A_1119, %dma_wait3A_1127, %dma_wait3A_1128, %dma_wait3A_1129] : memref<3x4x16x64x256xf32, #tpu.memory_space<vmem>> -> memref<1x1x16x64x256xf32, #tpu.memory_space<vmem>>
      %dma_wait3A_1131 = tpu.memref_squeeze %dma_wait3A_1130 : memref<1x1x16x64x256xf32, #tpu.memory_space<vmem>> -> memref<16x64x256xf32, #tpu.memory_space<vmem>>
      tpu.wait_dma2 semaphore(%dma_wait3A_1121 : memref<!tpu.dma_semaphore, #tpu.memory_space<semaphore_mem>>) src(%dma_wait3A_1131 : memref<16x64x256xf32, #tpu.memory_space<vmem>>) dst(%dma_wait3A_1126 : memref<16x64x256xf32, #tpu.memory_space<hbm>>)
      %sub3A_1132 = arith.constant 3 : i32
      %sub3A_1133 = arith.subi %arg0, %sub3A_1132 : i32
      %mul3A_1134 = arith.constant 4 : i32
      %mul3A_1135 = arith.muli %sub3A_1133, %mul3A_1134 : i32
      %add3A_1136 = arith.constant 2 : i32
      %add3A_1137 = arith.addi %mul3A_1135, %add3A_1136 : i32
      %dma_wait3A_1138 = arith.constant 2 : i32
      %dma_wait3A_1139 = tpu.memref_slice %arg5[%rem3A_2] : memref<3x!tpu.dma_semaphore, #tpu.memory_space<semaphore_mem>> -> memref<1x!tpu.dma_semaphore, #tpu.memory_space<semaphore_mem>>
      %dma_wait3A_1140 = tpu.memref_squeeze %dma_wait3A_1139 : memref<1x!tpu.dma_semaphore, #tpu.memory_space<semaphore_mem>> -> memref<!tpu.dma_semaphore, #tpu.memory_space<semaphore_mem>>
      %dma_wait3A_1141 = arith.constant 0 : i32
      %dma_wait3A_1142 = arith.constant 0 : i32
      %dma_wait3A_1143 = arith.constant 0 : i32
      %dma_wait3A_1144 = tpu.memref_slice %arg3[%add3A_1137, %dma_wait3A_1141, %dma_wait3A_1142, %dma_wait3A_1143] : memref<64x16x64x256xf32, #tpu.memory_space<hbm>> -> memref<1x16x64x256xf32, #tpu.memory_space<hbm>>
      %dma_wait3A_1145 = tpu.memref_squeeze %dma_wait3A_1144 : memref<1x16x64x256xf32, #tpu.memory_space<hbm>> -> memref<16x64x256xf32, #tpu.memory_space<hbm>>
      %dma_wait3A_1146 = arith.constant 0 : i32
      %dma_wait3A_1147 = arith.constant 0 : i32
      %dma_wait3A_1148 = arith.constant 0 : i32
      %dma_wait3A_1149 = tpu.memref_slice %arg4[%rem3A_2, %dma_wait3A_1138, %dma_wait3A_1146, %dma_wait3A_1147, %dma_wait3A_1148] : memref<3x4x16x64x256xf32, #tpu.memory_space<vmem>> -> memref<1x1x16x64x256xf32, #tpu.memory_space<vmem>>
      %dma_wait3A_1150 = tpu.memref_squeeze %dma_wait3A_1149 : memref<1x1x16x64x256xf32, #tpu.memory_space<vmem>> -> memref<16x64x256xf32, #tpu.memory_space<vmem>>
      tpu.wait_dma2 semaphore(%dma_wait3A_1140 : memref<!tpu.dma_semaphore, #tpu.memory_space<semaphore_mem>>) src(%dma_wait3A_1150 : memref<16x64x256xf32, #tpu.memory_space<vmem>>) dst(%dma_wait3A_1145 : memref<16x64x256xf32, #tpu.memory_space<hbm>>)
      %sub3A_1151 = arith.constant 3 : i32
      %sub3A_1152 = arith.subi %arg0, %sub3A_1151 : i32
      %mul3A_1153 = arith.constant 4 : i32
      %mul3A_1154 = arith.muli %sub3A_1152, %mul3A_1153 : i32
      %add3A_1155 = arith.constant 3 : i32
      %add3A_1156 = arith.addi %mul3A_1154, %add3A_1155 : i32
      %dma_wait3A_1157 = arith.constant 3 : i32
      %dma_wait3A_1158 = tpu.memref_slice %arg5[%rem3A_2] : memref<3x!tpu.dma_semaphore, #tpu.memory_space<semaphore_mem>> -> memref<1x!tpu.dma_semaphore, #tpu.memory_space<semaphore_mem>>
      %dma_wait3A_1159 = tpu.memref_squeeze %dma_wait3A_1158 : memref<1x!tpu.dma_semaphore, #tpu.memory_space<semaphore_mem>> -> memref<!tpu.dma_semaphore, #tpu.memory_space<semaphore_mem>>
      %dma_wait3A_1160 = arith.constant 0 : i32
      %dma_wait3A_1161 = arith.constant 0 : i32
      %dma_wait3A_1162 = arith.constant 0 : i32
      %dma_wait3A_1163 = tpu.memref_slice %arg3[%add3A_1156, %dma_wait3A_1160, %dma_wait3A_1161, %dma_wait3A_1162] : memref<64x16x64x256xf32, #tpu.memory_space<hbm>> -> memref<1x16x64x256xf32, #tpu.memory_space<hbm>>
      %dma_wait3A_1164 = tpu.memref_squeeze %dma_wait3A_1163 : memref<1x16x64x256xf32, #tpu.memory_space<hbm>> -> memref<16x64x256xf32, #tpu.memory_space<hbm>>
      %dma_wait3A_1165 = arith.constant 0 : i32
      %dma_wait3A_1166 = arith.constant 0 : i32
      %dma_wait3A_1167 = arith.constant 0 : i32
      %dma_wait3A_1168 = tpu.memref_slice %arg4[%rem3A_2, %dma_wait3A_1157, %dma_wait3A_1165, %dma_wait3A_1166, %dma_wait3A_1167] : memref<3x4x16x64x256xf32, #tpu.memory_space<vmem>> -> memref<1x1x16x64x256xf32, #tpu.memory_space<vmem>>
      %dma_wait3A_1169 = tpu.memref_squeeze %dma_wait3A_1168 : memref<1x1x16x64x256xf32, #tpu.memory_space<vmem>> -> memref<16x64x256xf32, #tpu.memory_space<vmem>>
      tpu.wait_dma2 semaphore(%dma_wait3A_1159 : memref<!tpu.dma_semaphore, #tpu.memory_space<semaphore_mem>>) src(%dma_wait3A_1169 : memref<16x64x256xf32, #tpu.memory_space<vmem>>) dst(%dma_wait3A_1164 : memref<16x64x256xf32, #tpu.memory_space<hbm>>)
    } else {
    }
    %get3A_5 = arith.constant 0 : index
    %get3A_6 = arith.constant 0 : index
    %get3A_7 = arith.constant 0 : index
    %get3A_8 = arith.constant 0 : index
    %get3A_9 = vector.load %arg2[%get3A_5, %get3A_6, %get3A_7, %get3A_8] : memref<16x4x64x256xf32, #tpu.memory_space<vmem>>, vector<1x1x64x256xf32>
    %get3A_10 = vector.shape_cast %get3A_9 : vector<1x1x64x256xf32> to vector<64x256xf32>
    %dot_general3A = arith.constant dense<0.000000e+00> : vector<64x256xf32>
    %dot_general3A_11 = tpu.matmul %get3A_10, %get3A_1, %dot_general3A {dimension_numbers = #tpu.dot_dimension_numbers<[1], [0], [0], [1], [0, 0, 1, 1], [], []>, transpose_lhs_hint = false} : vector<64x256xf32>, vector<256x256xf32>, vector<64x256xf32> -> vector<64x256xf32>
    %swap3A = arith.index_cast %rem3A_2 : i32 to index
    %swap3A_12 = arith.constant 0 : index
    %swap3A_13 = arith.constant 0 : index
    %swap3A_14 = arith.constant 0 : index
    %swap3A_15 = arith.constant 0 : index
    %swap3A_16 = vector.load %arg4[%swap3A, %swap3A_12, %swap3A_13, %swap3A_14, %swap3A_15] : memref<3x4x16x64x256xf32, #tpu.memory_space<vmem>>, vector<1x1x1x64x256xf32>
    %swap3A_17 = vector.shape_cast %swap3A_16 : vector<1x1x1x64x256xf32> to vector<64x256xf32>
    %swap3A_18 = vector.shape_cast %dot_general3A_11 : vector<64x256xf32> to vector<1x1x1x64x256xf32>
    tpu.vector_store %arg4[%swap3A, %swap3A_12, %swap3A_13, %swap3A_14, %swap3A_15], %swap3A_18 {strides = array<i32>} : memref<3x4x16x64x256xf32, #tpu.memory_space<vmem>>, vector<1x1x1x64x256xf32>,
    %get3A_19 = arith.constant 1 : index
    %get3A_20 = arith.constant 0 : index
    %get3A_21 = arith.constant 0 : index
    %get3A_22 = arith.constant 0 : index
    %get3A_23 = vector.load %arg2[%get3A_19, %get3A_20, %get3A_21, %get3A_22] : memref<16x4x64x256xf32, #tpu.memory_space<vmem>>, vector<1x1x64x256xf32>
    %get3A_24 = vector.shape_cast %get3A_23 : vector<1x1x64x256xf32> to vector<64x256xf32>
    %dot_general3A_25 = arith.constant dense<0.000000e+00> : vector<64x256xf32>
    %dot_general3A_26 = tpu.matmul %get3A_24, %get3A_1, %dot_general3A_25 {dimension_numbers = #tpu.dot_dimension_numbers<[1], [0], [0], [1], [0, 0, 1, 1], [], []>, transpose_lhs_hint = false} : vector<64x256xf32>, vector<256x256xf32>, vector<64x256xf32> -> vector<64x256xf32>
    %swap3A_27 = arith.index_cast %rem3A_2 : i32 to index
    %swap3A_28 = arith.constant 0 : index
    %swap3A_29 = arith.constant 1 : index
    %swap3A_30 = arith.constant 0 : index
    %swap3A_31 = arith.constant 0 : index
    %swap3A_32 = vector.load %arg4[%swap3A_27, %swap3A_28, %swap3A_29, %swap3A_30, %swap3A_31] : memref<3x4x16x64x256xf32, #tpu.memory_space<vmem>>, vector<1x1x1x64x256xf32>
    %swap3A_33 = vector.shape_cast %swap3A_32 : vector<1x1x1x64x256xf32> to vector<64x256xf32>
    %swap3A_34 = vector.shape_cast %dot_general3A_26 : vector<64x256xf32> to vector<1x1x1x64x256xf32>
    tpu.vector_store %arg4[%swap3A_27, %swap3A_28, %swap3A_29, %swap3A_30, %swap3A_31], %swap3A_34 {strides = array<i32>} : memref<3x4x16x64x256xf32, #tpu.memory_space<vmem>>, vector<1x1x1x64x256xf32>,
    %get3A_35 = arith.constant 2 : index
    %get3A_36 = arith.constant 0 : index
    %get3A_37 = arith.constant 0 : index
    %get3A_38 = arith.constant 0 : index
    %get3A_39 = vector.load %arg2[%get3A_35, %get3A_36, %get3A_37, %get3A_38] : memref<16x4x64x256xf32, #tpu.memory_space<vmem>>, vector<1x1x64x256xf32>
    %get3A_40 = vector.shape_cast %get3A_39 : vector<1x1x64x256xf32> to vector<64x256xf32>
    %dot_general3A_41 = arith.constant dense<0.000000e+00> : vector<64x256xf32>
    %dot_general3A_42 = tpu.matmul %get3A_40, %get3A_1, %dot_general3A_41 {dimension_numbers = #tpu.dot_dimension_numbers<[1], [0], [0], [1], [0, 0, 1, 1], [], []>, transpose_lhs_hint = false} : vector<64x256xf32>, vector<256x256xf32>, vector<64x256xf32> -> vector<64x256xf32>
    %swap3A_43 = arith.index_cast %rem3A_2 : i32 to index
    %swap3A_44 = arith.constant 0 : index
    %swap3A_45 = arith.constant 2 : index
    %swap3A_46 = arith.constant 0 : index
    %swap3A_47 = arith.constant 0 : index
    %swap3A_48 = vector.load %arg4[%swap3A_43, %swap3A_44, %swap3A_45, %swap3A_46, %swap3A_47] : memref<3x4x16x64x256xf32, #tpu.memory_space<vmem>>, vector<1x1x1x64x256xf32>
    %swap3A_49 = vector.shape_cast %swap3A_48 : vector<1x1x1x64x256xf32> to vector<64x256xf32>
    %swap3A_50 = vector.shape_cast %dot_general3A_42 : vector<64x256xf32> to vector<1x1x1x64x256xf32>
    tpu.vector_store %arg4[%swap3A_43, %swap3A_44, %swap3A_45, %swap3A_46, %swap3A_47], %swap3A_50 {strides = array<i32>} : memref<3x4x16x64x256xf32, #tpu.memory_space<vmem>>, vector<1x1x1x64x256xf32>,
    %get3A_51 = arith.constant 3 : index
    %get3A_52 = arith.constant 0 : index
    %get3A_53 = arith.constant 0 : index
    %get3A_54 = arith.constant 0 : index
    %get3A_55 = vector.load %arg2[%get3A_51, %get3A_52, %get3A_53, %get3A_54] : memref<16x4x64x256xf32, #tpu.memory_space<vmem>>, vector<1x1x64x256xf32>
    %get3A_56 = vector.shape_cast %get3A_55 : vector<1x1x64x256xf32> to vector<64x256xf32>
    %dot_general3A_57 = arith.constant dense<0.000000e+00> : vector<64x256xf32>
    %dot_general3A_58 = tpu.matmul %get3A_56, %get3A_1, %dot_general3A_57 {dimension_numbers = #tpu.dot_dimension_numbers<[1], [0], [0], [1], [0, 0, 1, 1], [], []>, transpose_lhs_hint = false} : vector<64x256xf32>, vector<256x256xf32>, vector<64x256xf32> -> vector<64x256xf32>
    %swap3A_59 = arith.index_cast %rem3A_2 : i32 to index
    %swap3A_60 = arith.constant 0 : index
    %swap3A_61 = arith.constant 3 : index
    %swap3A_62 = arith.constant 0 : index
    %swap3A_63 = arith.constant 0 : index
    %swap3A_64 = vector.load %arg4[%swap3A_59, %swap3A_60, %swap3A_61, %swap3A_62, %swap3A_63] : memref<3x4x16x64x256xf32, #tpu.memory_space<vmem>>, vector<1x1x1x64x256xf32>
    %swap3A_65 = vector.shape_cast %swap3A_64 : vector<1x1x1x64x256xf32> to vector<64x256xf32>
    %swap3A_66 = vector.shape_cast %dot_general3A_58 : vector<64x256xf32> to vector<1x1x1x64x256xf32>
    tpu.vector_store %arg4[%swap3A_59, %swap3A_60, %swap3A_61, %swap3A_62, %swap3A_63], %swap3A_66 {strides = array<i32>} : memref<3x4x16x64x256xf32, #tpu.memory_space<vmem>>, vector<1x1x1x64x256xf32>,
    %get3A_67 = arith.constant 4 : index
    %get3A_68 = arith.constant 0 : index
    %get3A_69 = arith.constant 0 : index
    %get3A_70 = arith.constant 0 : index
    %get3A_71 = vector.load %arg2[%get3A_67, %get3A_68, %get3A_69, %get3A_70] : memref<16x4x64x256xf32, #tpu.memory_space<vmem>>, vector<1x1x64x256xf32>
    %get3A_72 = vector.shape_cast %get3A_71 : vector<1x1x64x256xf32> to vector<64x256xf32>
    %dot_general3A_73 = arith.constant dense<0.000000e+00> : vector<64x256xf32>
    %dot_general3A_74 = tpu.matmul %get3A_72, %get3A_1, %dot_general3A_73 {dimension_numbers = #tpu.dot_dimension_numbers<[1], [0], [0], [1], [0, 0, 1, 1], [], []>, transpose_lhs_hint = false} : vector<64x256xf32>, vector<256x256xf32>, vector<64x256xf32> -> vector<64x256xf32>
    %swap3A_75 = arith.index_cast %rem3A_2 : i32 to index
    %swap3A_76 = arith.constant 0 : index
    %swap3A_77 = arith.constant 4 : index
    %swap3A_78 = arith.constant 0 : index
    %swap3A_79 = arith.constant 0 : index
    %swap3A_80 = vector.load %arg4[%swap3A_75, %swap3A_76, %swap3A_77, %swap3A_78, %swap3A_79] : memref<3x4x16x64x256xf32, #tpu.memory_space<vmem>>, vector<1x1x1x64x256xf32>
    %swap3A_81 = vector.shape_cast %swap3A_80 : vector<1x1x1x64x256xf32> to vector<64x256xf32>
    %swap3A_82 = vector.shape_cast %dot_general3A_74 : vector<64x256xf32> to vector<1x1x1x64x256xf32>
    tpu.vector_store %arg4[%swap3A_75, %swap3A_76, %swap3A_77, %swap3A_78, %swap3A_79], %swap3A_82 {strides = array<i32>} : memref<3x4x16x64x256xf32, #tpu.memory_space<vmem>>, vector<1x1x1x64x256xf32>,
    %get3A_83 = arith.constant 5 : index
    %get3A_84 = arith.constant 0 : index
    %get3A_85 = arith.constant 0 : index
    %get3A_86 = arith.constant 0 : index
    %get3A_87 = vector.load %arg2[%get3A_83, %get3A_84, %get3A_85, %get3A_86] : memref<16x4x64x256xf32, #tpu.memory_space<vmem>>, vector<1x1x64x256xf32>
    %get3A_88 = vector.shape_cast %get3A_87 : vector<1x1x64x256xf32> to vector<64x256xf32>
    %dot_general3A_89 = arith.constant dense<0.000000e+00> : vector<64x256xf32>
    %dot_general3A_90 = tpu.matmul %get3A_88, %get3A_1, %dot_general3A_89 {dimension_numbers = #tpu.dot_dimension_numbers<[1], [0], [0], [1], [0, 0, 1, 1], [], []>, transpose_lhs_hint = false} : vector<64x256xf32>, vector<256x256xf32>, vector<64x256xf32> -> vector<64x256xf32>
    %swap3A_91 = arith.index_cast %rem3A_2 : i32 to index
    %swap3A_92 = arith.constant 0 : index
    %swap3A_93 = arith.constant 5 : index
    %swap3A_94 = arith.constant 0 : index
    %swap3A_95 = arith.constant 0 : index
    %swap3A_96 = vector.load %arg4[%swap3A_91, %swap3A_92, %swap3A_93, %swap3A_94, %swap3A_95] : memref<3x4x16x64x256xf32, #tpu.memory_space<vmem>>, vector<1x1x1x64x256xf32>
    %swap3A_97 = vector.shape_cast %swap3A_96 : vector<1x1x1x64x256xf32> to vector<64x256xf32>
    %swap3A_98 = vector.shape_cast %dot_general3A_90 : vector<64x256xf32> to vector<1x1x1x64x256xf32>
    tpu.vector_store %arg4[%swap3A_91, %swap3A_92, %swap3A_93, %swap3A_94, %swap3A_95], %swap3A_98 {strides = array<i32>} : memref<3x4x16x64x256xf32, #tpu.memory_space<vmem>>, vector<1x1x1x64x256xf32>,
    %get3A_99 = arith.constant 6 : index
    %get3A_100 = arith.constant 0 : index
    %get3A_101 = arith.constant 0 : index
    %get3A_102 = arith.constant 0 : index
    %get3A_103 = vector.load %arg2[%get3A_99, %get3A_100, %get3A_101, %get3A_102] : memref<16x4x64x256xf32, #tpu.memory_space<vmem>>, vector<1x1x64x256xf32>
    %get3A_104 = vector.shape_cast %get3A_103 : vector<1x1x64x256xf32> to vector<64x256xf32>
    %dot_general3A_105 = arith.constant dense<0.000000e+00> : vector<64x256xf32>
    %dot_general3A_106 = tpu.matmul %get3A_104, %get3A_1, %dot_general3A_105 {dimension_numbers = #tpu.dot_dimension_numbers<[1], [0], [0], [1], [0, 0, 1, 1], [], []>, transpose_lhs_hint = false} : vector<64x256xf32>, vector<256x256xf32>, vector<64x256xf32> -> vector<64x256xf32>
    %swap3A_107 = arith.index_cast %rem3A_2 : i32 to index
    %swap3A_108 = arith.constant 0 : index
    %swap3A_109 = arith.constant 6 : index
    %swap3A_110 = arith.constant 0 : index
    %swap3A_111 = arith.constant 0 : index
    %swap3A_112 = vector.load %arg4[%swap3A_107, %swap3A_108, %swap3A_109, %swap3A_110, %swap3A_111] : memref<3x4x16x64x256xf32, #tpu.memory_space<vmem>>, vector<1x1x1x64x256xf32>
    %swap3A_113 = vector.shape_cast %swap3A_112 : vector<1x1x1x64x256xf32> to vector<64x256xf32>
    %swap3A_114 = vector.shape_cast %dot_general3A_106 : vector<64x256xf32> to vector<1x1x1x64x256xf32>
    tpu.vector_store %arg4[%swap3A_107, %swap3A_108, %swap3A_109, %swap3A_110, %swap3A_111], %swap3A_114 {strides = array<i32>} : memref<3x4x16x64x256xf32, #tpu.memory_space<vmem>>, vector<1x1x1x64x256xf32>,
    %get3A_115 = arith.constant 7 : index
    %get3A_116 = arith.constant 0 : index
    %get3A_117 = arith.constant 0 : index
    %get3A_118 = arith.constant 0 : index
    %get3A_119 = vector.load %arg2[%get3A_115, %get3A_116, %get3A_117, %get3A_118] : memref<16x4x64x256xf32, #tpu.memory_space<vmem>>, vector<1x1x64x256xf32>
    %get3A_120 = vector.shape_cast %get3A_119 : vector<1x1x64x256xf32> to vector<64x256xf32>
    %dot_general3A_121 = arith.constant dense<0.000000e+00> : vector<64x256xf32>
    %dot_general3A_122 = tpu.matmul %get3A_120, %get3A_1, %dot_general3A_121 {dimension_numbers = #tpu.dot_dimension_numbers<[1], [0], [0], [1], [0, 0, 1, 1], [], []>, transpose_lhs_hint = false} : vector<64x256xf32>, vector<256x256xf32>, vector<64x256xf32> -> vector<64x256xf32>
    %swap3A_123 = arith.index_cast %rem3A_2 : i32 to index
    %swap3A_124 = arith.constant 0 : index
    %swap3A_125 = arith.constant 7 : index
    %swap3A_126 = arith.constant 0 : index
    %swap3A_127 = arith.constant 0 : index
    %swap3A_128 = vector.load %arg4[%swap3A_123, %swap3A_124, %swap3A_125, %swap3A_126, %swap3A_127] : memref<3x4x16x64x256xf32, #tpu.memory_space<vmem>>, vector<1x1x1x64x256xf32>
    %swap3A_129 = vector.shape_cast %swap3A_128 : vector<1x1x1x64x256xf32> to vector<64x256xf32>
    %swap3A_130 = vector.shape_cast %dot_general3A_122 : vector<64x256xf32> to vector<1x1x1x64x256xf32>
    tpu.vector_store %arg4[%swap3A_123, %swap3A_124, %swap3A_125, %swap3A_126, %swap3A_127], %swap3A_130 {strides = array<i32>} : memref<3x4x16x64x256xf32, #tpu.memory_space<vmem>>, vector<1x1x1x64x256xf32>,
    %get3A_131 = arith.constant 8 : index
    %get3A_132 = arith.constant 0 : index
    %get3A_133 = arith.constant 0 : index
    %get3A_134 = arith.constant 0 : index
    %get3A_135 = vector.load %arg2[%get3A_131, %get3A_132, %get3A_133, %get3A_134] : memref<16x4x64x256xf32, #tpu.memory_space<vmem>>, vector<1x1x64x256xf32>
    %get3A_136 = vector.shape_cast %get3A_135 : vector<1x1x64x256xf32> to vector<64x256xf32>
    %dot_general3A_137 = arith.constant dense<0.000000e+00> : vector<64x256xf32>
    %dot_general3A_138 = tpu.matmul %get3A_136, %get3A_1, %dot_general3A_137 {dimension_numbers = #tpu.dot_dimension_numbers<[1], [0], [0], [1], [0, 0, 1, 1], [], []>, transpose_lhs_hint = false} : vector<64x256xf32>, vector<256x256xf32>, vector<64x256xf32> -> vector<64x256xf32>
    %swap3A_139 = arith.index_cast %rem3A_2 : i32 to index
    %swap3A_140 = arith.constant 0 : index
    %swap3A_141 = arith.constant 8 : index
    %swap3A_142 = arith.constant 0 : index
    %swap3A_143 = arith.constant 0 : index
    %swap3A_144 = vector.load %arg4[%swap3A_139, %swap3A_140, %swap3A_141, %swap3A_142, %swap3A_143] : memref<3x4x16x64x256xf32, #tpu.memory_space<vmem>>, vector<1x1x1x64x256xf32>
    %swap3A_145 = vector.shape_cast %swap3A_144 : vector<1x1x1x64x256xf32> to vector<64x256xf32>
    %swap3A_146 = vector.shape_cast %dot_general3A_138 : vector<64x256xf32> to vector<1x1x1x64x256xf32>
    tpu.vector_store %arg4[%swap3A_139, %swap3A_140, %swap3A_141, %swap3A_142, %swap3A_143], %swap3A_146 {strides = array<i32>} : memref<3x4x16x64x256xf32, #tpu.memory_space<vmem>>, vector<1x1x1x64x256xf32>,
    %get3A_147 = arith.constant 9 : index
    %get3A_148 = arith.constant 0 : index
    %get3A_149 = arith.constant 0 : index
    %get3A_150 = arith.constant 0 : index
    %get3A_151 = vector.load %arg2[%get3A_147, %get3A_148, %get3A_149, %get3A_150] : memref<16x4x64x256xf32, #tpu.memory_space<vmem>>, vector<1x1x64x256xf32>
    %get3A_152 = vector.shape_cast %get3A_151 : vector<1x1x64x256xf32> to vector<64x256xf32>
    %dot_general3A_153 = arith.constant dense<0.000000e+00> : vector<64x256xf32>
    %dot_general3A_154 = tpu.matmul %get3A_152, %get3A_1, %dot_general3A_153 {dimension_numbers = #tpu.dot_dimension_numbers<[1], [0], [0], [1], [0, 0, 1, 1], [], []>, transpose_lhs_hint = false} : vector<64x256xf32>, vector<256x256xf32>, vector<64x256xf32> -> vector<64x256xf32>
    %swap3A_155 = arith.index_cast %rem3A_2 : i32 to index
    %swap3A_156 = arith.constant 0 : index
    %swap3A_157 = arith.constant 9 : index
    %swap3A_158 = arith.constant 0 : index
    %swap3A_159 = arith.constant 0 : index
    %swap3A_160 = vector.load %arg4[%swap3A_155, %swap3A_156, %swap3A_157, %swap3A_158, %swap3A_159] : memref<3x4x16x64x256xf32, #tpu.memory_space<vmem>>, vector<1x1x1x64x256xf32>
    %swap3A_161 = vector.shape_cast %swap3A_160 : vector<1x1x1x64x256xf32> to vector<64x256xf32>
    %swap3A_162 = vector.shape_cast %dot_general3A_154 : vector<64x256xf32> to vector<1x1x1x64x256xf32>
    tpu.vector_store %arg4[%swap3A_155, %swap3A_156, %swap3A_157, %swap3A_158, %swap3A_159], %swap3A_162 {strides = array<i32>} : memref<3x4x16x64x256xf32, #tpu.memory_space<vmem>>, vector<1x1x1x64x256xf32>,
    %get3A_163 = arith.constant 10 : index
    %get3A_164 = arith.constant 0 : index
    %get3A_165 = arith.constant 0 : index
    %get3A_166 = arith.constant 0 : index
    %get3A_167 = vector.load %arg2[%get3A_163, %get3A_164, %get3A_165, %get3A_166] : memref<16x4x64x256xf32, #tpu.memory_space<vmem>>, vector<1x1x64x256xf32>
    %get3A_168 = vector.shape_cast %get3A_167 : vector<1x1x64x256xf32> to vector<64x256xf32>
    %dot_general3A_169 = arith.constant dense<0.000000e+00> : vector<64x256xf32>
    %dot_general3A_170 = tpu.matmul %get3A_168, %get3A_1, %dot_general3A_169 {dimension_numbers = #tpu.dot_dimension_numbers<[1], [0], [0], [1], [0, 0, 1, 1], [], []>, transpose_lhs_hint = false} : vector<64x256xf32>, vector<256x256xf32>, vector<64x256xf32> -> vector<64x256xf32>
    %swap3A_171 = arith.index_cast %rem3A_2 : i32 to index
    %swap3A_172 = arith.constant 0 : index
    %swap3A_173 = arith.constant 10 : index
    %swap3A_174 = arith.constant 0 : index
    %swap3A_175 = arith.constant 0 : index
    %swap3A_176 = vector.load %arg4[%swap3A_171, %swap3A_172, %swap3A_173, %swap3A_174, %swap3A_175] : memref<3x4x16x64x256xf32, #tpu.memory_space<vmem>>, vector<1x1x1x64x256xf32>
    %swap3A_177 = vector.shape_cast %swap3A_176 : vector<1x1x1x64x256xf32> to vector<64x256xf32>
    %swap3A_178 = vector.shape_cast %dot_general3A_170 : vector<64x256xf32> to vector<1x1x1x64x256xf32>
    tpu.vector_store %arg4[%swap3A_171, %swap3A_172, %swap3A_173, %swap3A_174, %swap3A_175], %swap3A_178 {strides = array<i32>} : memref<3x4x16x64x256xf32, #tpu.memory_space<vmem>>, vector<1x1x1x64x256xf32>,
    %get3A_179 = arith.constant 11 : index
    %get3A_180 = arith.constant 0 : index
    %get3A_181 = arith.constant 0 : index
    %get3A_182 = arith.constant 0 : index
    %get3A_183 = vector.load %arg2[%get3A_179, %get3A_180, %get3A_181, %get3A_182] : memref<16x4x64x256xf32, #tpu.memory_space<vmem>>, vector<1x1x64x256xf32>
    %get3A_184 = vector.shape_cast %get3A_183 : vector<1x1x64x256xf32> to vector<64x256xf32>
    %dot_general3A_185 = arith.constant dense<0.000000e+00> : vector<64x256xf32>
    %dot_general3A_186 = tpu.matmul %get3A_184, %get3A_1, %dot_general3A_185 {dimension_numbers = #tpu.dot_dimension_numbers<[1], [0], [0], [1], [0, 0, 1, 1], [], []>, transpose_lhs_hint = false} : vector<64x256xf32>, vector<256x256xf32>, vector<64x256xf32> -> vector<64x256xf32>
    %swap3A_187 = arith.index_cast %rem3A_2 : i32 to index
    %swap3A_188 = arith.constant 0 : index
    %swap3A_189 = arith.constant 11 : index
    %swap3A_190 = arith.constant 0 : index
    %swap3A_191 = arith.constant 0 : index
    %swap3A_192 = vector.load %arg4[%swap3A_187, %swap3A_188, %swap3A_189, %swap3A_190, %swap3A_191] : memref<3x4x16x64x256xf32, #tpu.memory_space<vmem>>, vector<1x1x1x64x256xf32>
    %swap3A_193 = vector.shape_cast %swap3A_192 : vector<1x1x1x64x256xf32> to vector<64x256xf32>
    %swap3A_194 = vector.shape_cast %dot_general3A_186 : vector<64x256xf32> to vector<1x1x1x64x256xf32>
    tpu.vector_store %arg4[%swap3A_187, %swap3A_188, %swap3A_189, %swap3A_190, %swap3A_191], %swap3A_194 {strides = array<i32>} : memref<3x4x16x64x256xf32, #tpu.memory_space<vmem>>, vector<1x1x1x64x256xf32>,
    %get3A_195 = arith.constant 12 : index
    %get3A_196 = arith.constant 0 : index
    %get3A_197 = arith.constant 0 : index
    %get3A_198 = arith.constant 0 : index
    %get3A_199 = vector.load %arg2[%get3A_195, %get3A_196, %get3A_197, %get3A_198] : memref<16x4x64x256xf32, #tpu.memory_space<vmem>>, vector<1x1x64x256xf32>
    %get3A_200 = vector.shape_cast %get3A_199 : vector<1x1x64x256xf32> to vector<64x256xf32>
    %dot_general3A_201 = arith.constant dense<0.000000e+00> : vector<64x256xf32>
    %dot_general3A_202 = tpu.matmul %get3A_200, %get3A_1, %dot_general3A_201 {dimension_numbers = #tpu.dot_dimension_numbers<[1], [0], [0], [1], [0, 0, 1, 1], [], []>, transpose_lhs_hint = false} : vector<64x256xf32>, vector<256x256xf32>, vector<64x256xf32> -> vector<64x256xf32>
    %swap3A_203 = arith.index_cast %rem3A_2 : i32 to index
    %swap3A_204 = arith.constant 0 : index
    %swap3A_205 = arith.constant 12 : index
    %swap3A_206 = arith.constant 0 : index
    %swap3A_207 = arith.constant 0 : index
    %swap3A_208 = vector.load %arg4[%swap3A_203, %swap3A_204, %swap3A_205, %swap3A_206, %swap3A_207] : memref<3x4x16x64x256xf32, #tpu.memory_space<vmem>>, vector<1x1x1x64x256xf32>
    %swap3A_209 = vector.shape_cast %swap3A_208 : vector<1x1x1x64x256xf32> to vector<64x256xf32>
    %swap3A_210 = vector.shape_cast %dot_general3A_202 : vector<64x256xf32> to vector<1x1x1x64x256xf32>
    tpu.vector_store %arg4[%swap3A_203, %swap3A_204, %swap3A_205, %swap3A_206, %swap3A_207], %swap3A_210 {strides = array<i32>} : memref<3x4x16x64x256xf32, #tpu.memory_space<vmem>>, vector<1x1x1x64x256xf32>,
    %get3A_211 = arith.constant 13 : index
    %get3A_212 = arith.constant 0 : index
    %get3A_213 = arith.constant 0 : index
    %get3A_214 = arith.constant 0 : index
    %get3A_215 = vector.load %arg2[%get3A_211, %get3A_212, %get3A_213, %get3A_214] : memref<16x4x64x256xf32, #tpu.memory_space<vmem>>, vector<1x1x64x256xf32>
    %get3A_216 = vector.shape_cast %get3A_215 : vector<1x1x64x256xf32> to vector<64x256xf32>
    %dot_general3A_217 = arith.constant dense<0.000000e+00> : vector<64x256xf32>
    %dot_general3A_218 = tpu.matmul %get3A_216, %get3A_1, %dot_general3A_217 {dimension_numbers = #tpu.dot_dimension_numbers<[1], [0], [0], [1], [0, 0, 1, 1], [], []>, transpose_lhs_hint = false} : vector<64x256xf32>, vector<256x256xf32>, vector<64x256xf32> -> vector<64x256xf32>
    %swap3A_219 = arith.index_cast %rem3A_2 : i32 to index
    %swap3A_220 = arith.constant 0 : index
    %swap3A_221 = arith.constant 13 : index
    %swap3A_222 = arith.constant 0 : index
    %swap3A_223 = arith.constant 0 : index
    %swap3A_224 = vector.load %arg4[%swap3A_219, %swap3A_220, %swap3A_221, %swap3A_222, %swap3A_223] : memref<3x4x16x64x256xf32, #tpu.memory_space<vmem>>, vector<1x1x1x64x256xf32>
    %swap3A_225 = vector.shape_cast %swap3A_224 : vector<1x1x1x64x256xf32> to vector<64x256xf32>
    %swap3A_226 = vector.shape_cast %dot_general3A_218 : vector<64x256xf32> to vector<1x1x1x64x256xf32>
    tpu.vector_store %arg4[%swap3A_219, %swap3A_220, %swap3A_221, %swap3A_222, %swap3A_223], %swap3A_226 {strides = array<i32>} : memref<3x4x16x64x256xf32, #tpu.memory_space<vmem>>, vector<1x1x1x64x256xf32>,
    %get3A_227 = arith.constant 14 : index
    %get3A_228 = arith.constant 0 : index
    %get3A_229 = arith.constant 0 : index
    %get3A_230 = arith.constant 0 : index
    %get3A_231 = vector.load %arg2[%get3A_227, %get3A_228, %get3A_229, %get3A_230] : memref<16x4x64x256xf32, #tpu.memory_space<vmem>>, vector<1x1x64x256xf32>
    %get3A_232 = vector.shape_cast %get3A_231 : vector<1x1x64x256xf32> to vector<64x256xf32>
    %dot_general3A_233 = arith.constant dense<0.000000e+00> : vector<64x256xf32>
    %dot_general3A_234 = tpu.matmul %get3A_232, %get3A_1, %dot_general3A_233 {dimension_numbers = #tpu.dot_dimension_numbers<[1], [0], [0], [1], [0, 0, 1, 1], [], []>, transpose_lhs_hint = false} : vector<64x256xf32>, vector<256x256xf32>, vector<64x256xf32> -> vector<64x256xf32>
    %swap3A_235 = arith.index_cast %rem3A_2 : i32 to index
    %swap3A_236 = arith.constant 0 : index
    %swap3A_237 = arith.constant 14 : index
    %swap3A_238 = arith.constant 0 : index
    %swap3A_239 = arith.constant 0 : index
    %swap3A_240 = vector.load %arg4[%swap3A_235, %swap3A_236, %swap3A_237, %swap3A_238, %swap3A_239] : memref<3x4x16x64x256xf32, #tpu.memory_space<vmem>>, vector<1x1x1x64x256xf32>
    %swap3A_241 = vector.shape_cast %swap3A_240 : vector<1x1x1x64x256xf32> to vector<64x256xf32>
    %swap3A_242 = vector.shape_cast %dot_general3A_234 : vector<64x256xf32> to vector<1x1x1x64x256xf32>
    tpu.vector_store %arg4[%swap3A_235, %swap3A_236, %swap3A_237, %swap3A_238, %swap3A_239], %swap3A_242 {strides = array<i32>} : memref<3x4x16x64x256xf32, #tpu.memory_space<vmem>>, vector<1x1x1x64x256xf32>,
    %get3A_243 = arith.constant 15 : index
    %get3A_244 = arith.constant 0 : index
    %get3A_245 = arith.constant 0 : index
    %get3A_246 = arith.constant 0 : index
    %get3A_247 = vector.load %arg2[%get3A_243, %get3A_244, %get3A_245, %get3A_246] : memref<16x4x64x256xf32, #tpu.memory_space<vmem>>, vector<1x1x64x256xf32>
    %get3A_248 = vector.shape_cast %get3A_247 : vector<1x1x64x256xf32> to vector<64x256xf32>
    %dot_general3A_249 = arith.constant dense<0.000000e+00> : vector<64x256xf32>
    %dot_general3A_250 = tpu.matmul %get3A_248, %get3A_1, %dot_general3A_249 {dimension_numbers = #tpu.dot_dimension_numbers<[1], [0], [0], [1], [0, 0, 1, 1], [], []>, transpose_lhs_hint = false} : vector<64x256xf32>, vector<256x256xf32>, vector<64x256xf32> -> vector<64x256xf32>
    %swap3A_251 = arith.index_cast %rem3A_2 : i32 to index
    %swap3A_252 = arith.constant 0 : index
    %swap3A_253 = arith.constant 15 : index
    %swap3A_254 = arith.constant 0 : index
    %swap3A_255 = arith.constant 0 : index
    %swap3A_256 = vector.load %arg4[%swap3A_251, %swap3A_252, %swap3A_253, %swap3A_254, %swap3A_255] : memref<3x4x16x64x256xf32, #tpu.memory_space<vmem>>, vector<1x1x1x64x256xf32>
    %swap3A_257 = vector.shape_cast %swap3A_256 : vector<1x1x1x64x256xf32> to vector<64x256xf32>
    %swap3A_258 = vector.shape_cast %dot_general3A_250 : vector<64x256xf32> to vector<1x1x1x64x256xf32>
    tpu.vector_store %arg4[%swap3A_251, %swap3A_252, %swap3A_253, %swap3A_254, %swap3A_255], %swap3A_258 {strides = array<i32>} : memref<3x4x16x64x256xf32, #tpu.memory_space<vmem>>, vector<1x1x1x64x256xf32>,
    %get3A_259 = arith.constant 0 : index
    %get3A_260 = arith.constant 1 : index
    %get3A_261 = arith.constant 0 : index
    %get3A_262 = arith.constant 0 : index
    %get3A_263 = vector.load %arg2[%get3A_259, %get3A_260, %get3A_261, %get3A_262] : memref<16x4x64x256xf32, #tpu.memory_space<vmem>>, vector<1x1x64x256xf32>
    %get3A_264 = vector.shape_cast %get3A_263 : vector<1x1x64x256xf32> to vector<64x256xf32>
    %dot_general3A_265 = arith.constant dense<0.000000e+00> : vector<64x256xf32>
    %dot_general3A_266 = tpu.matmul %get3A_264, %get3A_1, %dot_general3A_265 {dimension_numbers = #tpu.dot_dimension_numbers<[1], [0], [0], [1], [0, 0, 1, 1], [], []>, transpose_lhs_hint = false} : vector<64x256xf32>, vector<256x256xf32>, vector<64x256xf32> -> vector<64x256xf32>
    %swap3A_267 = arith.index_cast %rem3A_2 : i32 to index
    %swap3A_268 = arith.constant 1 : index
    %swap3A_269 = arith.constant 0 : index
    %swap3A_270 = arith.constant 0 : index
    %swap3A_271 = arith.constant 0 : index
    %swap3A_272 = vector.load %arg4[%swap3A_267, %swap3A_268, %swap3A_269, %swap3A_270, %swap3A_271] : memref<3x4x16x64x256xf32, #tpu.memory_space<vmem>>, vector<1x1x1x64x256xf32>
    %swap3A_273 = vector.shape_cast %swap3A_272 : vector<1x1x1x64x256xf32> to vector<64x256xf32>
    %swap3A_274 = vector.shape_cast %dot_general3A_266 : vector<64x256xf32> to vector<1x1x1x64x256xf32>
    tpu.vector_store %arg4[%swap3A_267, %swap3A_268, %swap3A_269, %swap3A_270, %swap3A_271], %swap3A_274 {strides = array<i32>} : memref<3x4x16x64x256xf32, #tpu.memory_space<vmem>>, vector<1x1x1x64x256xf32>,
    %get3A_275 = arith.constant 1 : index
    %get3A_276 = arith.constant 1 : index
    %get3A_277 = arith.constant 0 : index
    %get3A_278 = arith.constant 0 : index
    %get3A_279 = vector.load %arg2[%get3A_275, %get3A_276, %get3A_277, %get3A_278] : memref<16x4x64x256xf32, #tpu.memory_space<vmem>>, vector<1x1x64x256xf32>
    %get3A_280 = vector.shape_cast %get3A_279 : vector<1x1x64x256xf32> to vector<64x256xf32>
    %dot_general3A_281 = arith.constant dense<0.000000e+00> : vector<64x256xf32>
    %dot_general3A_282 = tpu.matmul %get3A_280, %get3A_1, %dot_general3A_281 {dimension_numbers = #tpu.dot_dimension_numbers<[1], [0], [0], [1], [0, 0, 1, 1], [], []>, transpose_lhs_hint = false} : vector<64x256xf32>, vector<256x256xf32>, vector<64x256xf32> -> vector<64x256xf32>
    %swap3A_283 = arith.index_cast %rem3A_2 : i32 to index
    %swap3A_284 = arith.constant 1 : index
    %swap3A_285 = arith.constant 1 : index
    %swap3A_286 = arith.constant 0 : index
    %swap3A_287 = arith.constant 0 : index
    %swap3A_288 = vector.load %arg4[%swap3A_283, %swap3A_284, %swap3A_285, %swap3A_286, %swap3A_287] : memref<3x4x16x64x256xf32, #tpu.memory_space<vmem>>, vector<1x1x1x64x256xf32>
    %swap3A_289 = vector.shape_cast %swap3A_288 : vector<1x1x1x64x256xf32> to vector<64x256xf32>
    %swap3A_290 = vector.shape_cast %dot_general3A_282 : vector<64x256xf32> to vector<1x1x1x64x256xf32>
    tpu.vector_store %arg4[%swap3A_283, %swap3A_284, %swap3A_285, %swap3A_286, %swap3A_287], %swap3A_290 {strides = array<i32>} : memref<3x4x16x64x256xf32, #tpu.memory_space<vmem>>, vector<1x1x1x64x256xf32>,
    %get3A_291 = arith.constant 2 : index
    %get3A_292 = arith.constant 1 : index
    %get3A_293 = arith.constant 0 : index
    %get3A_294 = arith.constant 0 : index
    %get3A_295 = vector.load %arg2[%get3A_291, %get3A_292, %get3A_293, %get3A_294] : memref<16x4x64x256xf32, #tpu.memory_space<vmem>>, vector<1x1x64x256xf32>
    %get3A_296 = vector.shape_cast %get3A_295 : vector<1x1x64x256xf32> to vector<64x256xf32>
    %dot_general3A_297 = arith.constant dense<0.000000e+00> : vector<64x256xf32>
    %dot_general3A_298 = tpu.matmul %get3A_296, %get3A_1, %dot_general3A_297 {dimension_numbers = #tpu.dot_dimension_numbers<[1], [0], [0], [1], [0, 0, 1, 1], [], []>, transpose_lhs_hint = false} : vector<64x256xf32>, vector<256x256xf32>, vector<64x256xf32> -> vector<64x256xf32>
    %swap3A_299 = arith.index_cast %rem3A_2 : i32 to index
    %swap3A_300 = arith.constant 1 : index
    %swap3A_301 = arith.constant 2 : index
    %swap3A_302 = arith.constant 0 : index
    %swap3A_303 = arith.constant 0 : index
    %swap3A_304 = vector.load %arg4[%swap3A_299, %swap3A_300, %swap3A_301, %swap3A_302, %swap3A_303] : memref<3x4x16x64x256xf32, #tpu.memory_space<vmem>>, vector<1x1x1x64x256xf32>
    %swap3A_305 = vector.shape_cast %swap3A_304 : vector<1x1x1x64x256xf32> to vector<64x256xf32>
    %swap3A_306 = vector.shape_cast %dot_general3A_298 : vector<64x256xf32> to vector<1x1x1x64x256xf32>
    tpu.vector_store %arg4[%swap3A_299, %swap3A_300, %swap3A_301, %swap3A_302, %swap3A_303], %swap3A_306 {strides = array<i32>} : memref<3x4x16x64x256xf32, #tpu.memory_space<vmem>>, vector<1x1x1x64x256xf32>,
    %get3A_307 = arith.constant 3 : index
    %get3A_308 = arith.constant 1 : index
    %get3A_309 = arith.constant 0 : index
    %get3A_310 = arith.constant 0 : index
    %get3A_311 = vector.load %arg2[%get3A_307, %get3A_308, %get3A_309, %get3A_310] : memref<16x4x64x256xf32, #tpu.memory_space<vmem>>, vector<1x1x64x256xf32>
    %get3A_312 = vector.shape_cast %get3A_311 : vector<1x1x64x256xf32> to vector<64x256xf32>
    %dot_general3A_313 = arith.constant dense<0.000000e+00> : vector<64x256xf32>
    %dot_general3A_314 = tpu.matmul %get3A_312, %get3A_1, %dot_general3A_313 {dimension_numbers = #tpu.dot_dimension_numbers<[1], [0], [0], [1], [0, 0, 1, 1], [], []>, transpose_lhs_hint = false} : vector<64x256xf32>, vector<256x256xf32>, vector<64x256xf32> -> vector<64x256xf32>
    %swap3A_315 = arith.index_cast %rem3A_2 : i32 to index
    %swap3A_316 = arith.constant 1 : index
    %swap3A_317 = arith.constant 3 : index
    %swap3A_318 = arith.constant 0 : index
    %swap3A_319 = arith.constant 0 : index
    %swap3A_320 = vector.load %arg4[%swap3A_315, %swap3A_316, %swap3A_317, %swap3A_318, %swap3A_319] : memref<3x4x16x64x256xf32, #tpu.memory_space<vmem>>, vector<1x1x1x64x256xf32>
    %swap3A_321 = vector.shape_cast %swap3A_320 : vector<1x1x1x64x256xf32> to vector<64x256xf32>
    %swap3A_322 = vector.shape_cast %dot_general3A_314 : vector<64x256xf32> to vector<1x1x1x64x256xf32>
    tpu.vector_store %arg4[%swap3A_315, %swap3A_316, %swap3A_317, %swap3A_318, %swap3A_319], %swap3A_322 {strides = array<i32>} : memref<3x4x16x64x256xf32, #tpu.memory_space<vmem>>, vector<1x1x1x64x256xf32>,
    %get3A_323 = arith.constant 4 : index
    %get3A_324 = arith.constant 1 : index
    %get3A_325 = arith.constant 0 : index
    %get3A_326 = arith.constant 0 : index
    %get3A_327 = vector.load %arg2[%get3A_323, %get3A_324, %get3A_325, %get3A_326] : memref<16x4x64x256xf32, #tpu.memory_space<vmem>>, vector<1x1x64x256xf32>
    %get3A_328 = vector.shape_cast %get3A_327 : vector<1x1x64x256xf32> to vector<64x256xf32>
    %dot_general3A_329 = arith.constant dense<0.000000e+00> : vector<64x256xf32>
    %dot_general3A_330 = tpu.matmul %get3A_328, %get3A_1, %dot_general3A_329 {dimension_numbers = #tpu.dot_dimension_numbers<[1], [0], [0], [1], [0, 0, 1, 1], [], []>, transpose_lhs_hint = false} : vector<64x256xf32>, vector<256x256xf32>, vector<64x256xf32> -> vector<64x256xf32>
    %swap3A_331 = arith.index_cast %rem3A_2 : i32 to index
    %swap3A_332 = arith.constant 1 : index
    %swap3A_333 = arith.constant 4 : index
    %swap3A_334 = arith.constant 0 : index
    %swap3A_335 = arith.constant 0 : index
    %swap3A_336 = vector.load %arg4[%swap3A_331, %swap3A_332, %swap3A_333, %swap3A_334, %swap3A_335] : memref<3x4x16x64x256xf32, #tpu.memory_space<vmem>>, vector<1x1x1x64x256xf32>
    %swap3A_337 = vector.shape_cast %swap3A_336 : vector<1x1x1x64x256xf32> to vector<64x256xf32>
    %swap3A_338 = vector.shape_cast %dot_general3A_330 : vector<64x256xf32> to vector<1x1x1x64x256xf32>
    tpu.vector_store %arg4[%swap3A_331, %swap3A_332, %swap3A_333, %swap3A_334, %swap3A_335], %swap3A_338 {strides = array<i32>} : memref<3x4x16x64x256xf32, #tpu.memory_space<vmem>>, vector<1x1x1x64x256xf32>,
    %get3A_339 = arith.constant 5 : index
    %get3A_340 = arith.constant 1 : index
    %get3A_341 = arith.constant 0 : index
    %get3A_342 = arith.constant 0 : index
    %get3A_343 = vector.load %arg2[%get3A_339, %get3A_340, %get3A_341, %get3A_342] : memref<16x4x64x256xf32, #tpu.memory_space<vmem>>, vector<1x1x64x256xf32>
    %get3A_344 = vector.shape_cast %get3A_343 : vector<1x1x64x256xf32> to vector<64x256xf32>
    %dot_general3A_345 = arith.constant dense<0.000000e+00> : vector<64x256xf32>
    %dot_general3A_346 = tpu.matmul %get3A_344, %get3A_1, %dot_general3A_345 {dimension_numbers = #tpu.dot_dimension_numbers<[1], [0], [0], [1], [0, 0, 1, 1], [], []>, transpose_lhs_hint = false} : vector<64x256xf32>, vector<256x256xf32>, vector<64x256xf32> -> vector<64x256xf32>
    %swap3A_347 = arith.index_cast %rem3A_2 : i32 to index
    %swap3A_348 = arith.constant 1 : index
    %swap3A_349 = arith.constant 5 : index
    %swap3A_350 = arith.constant 0 : index
    %swap3A_351 = arith.constant 0 : index
    %swap3A_352 = vector.load %arg4[%swap3A_347, %swap3A_348, %swap3A_349, %swap3A_350, %swap3A_351] : memref<3x4x16x64x256xf32, #tpu.memory_space<vmem>>, vector<1x1x1x64x256xf32>
    %swap3A_353 = vector.shape_cast %swap3A_352 : vector<1x1x1x64x256xf32> to vector<64x256xf32>
    %swap3A_354 = vector.shape_cast %dot_general3A_346 : vector<64x256xf32> to vector<1x1x1x64x256xf32>
    tpu.vector_store %arg4[%swap3A_347, %swap3A_348, %swap3A_349, %swap3A_350, %swap3A_351], %swap3A_354 {strides = array<i32>} : memref<3x4x16x64x256xf32, #tpu.memory_space<vmem>>, vector<1x1x1x64x256xf32>,
    %get3A_355 = arith.constant 6 : index
    %get3A_356 = arith.constant 1 : index
    %get3A_357 = arith.constant 0 : index
    %get3A_358 = arith.constant 0 : index
    %get3A_359 = vector.load %arg2[%get3A_355, %get3A_356, %get3A_357, %get3A_358] : memref<16x4x64x256xf32, #tpu.memory_space<vmem>>, vector<1x1x64x256xf32>
    %get3A_360 = vector.shape_cast %get3A_359 : vector<1x1x64x256xf32> to vector<64x256xf32>
    %dot_general3A_361 = arith.constant dense<0.000000e+00> : vector<64x256xf32>
    %dot_general3A_362 = tpu.matmul %get3A_360, %get3A_1, %dot_general3A_361 {dimension_numbers = #tpu.dot_dimension_numbers<[1], [0], [0], [1], [0, 0, 1, 1], [], []>, transpose_lhs_hint = false} : vector<64x256xf32>, vector<256x256xf32>, vector<64x256xf32> -> vector<64x256xf32>
    %swap3A_363 = arith.index_cast %rem3A_2 : i32 to index
    %swap3A_364 = arith.constant 1 : index
    %swap3A_365 = arith.constant 6 : index
    %swap3A_366 = arith.constant 0 : index
    %swap3A_367 = arith.constant 0 : index
    %swap3A_368 = vector.load %arg4[%swap3A_363, %swap3A_364, %swap3A_365, %swap3A_366, %swap3A_367] : memref<3x4x16x64x256xf32, #tpu.memory_space<vmem>>, vector<1x1x1x64x256xf32>
    %swap3A_369 = vector.shape_cast %swap3A_368 : vector<1x1x1x64x256xf32> to vector<64x256xf32>
    %swap3A_370 = vector.shape_cast %dot_general3A_362 : vector<64x256xf32> to vector<1x1x1x64x256xf32>
    tpu.vector_store %arg4[%swap3A_363, %swap3A_364, %swap3A_365, %swap3A_366, %swap3A_367], %swap3A_370 {strides = array<i32>} : memref<3x4x16x64x256xf32, #tpu.memory_space<vmem>>, vector<1x1x1x64x256xf32>,
    %get3A_371 = arith.constant 7 : index
    %get3A_372 = arith.constant 1 : index
    %get3A_373 = arith.constant 0 : index
    %get3A_374 = arith.constant 0 : index
    %get3A_375 = vector.load %arg2[%get3A_371, %get3A_372, %get3A_373, %get3A_374] : memref<16x4x64x256xf32, #tpu.memory_space<vmem>>, vector<1x1x64x256xf32>
    %get3A_376 = vector.shape_cast %get3A_375 : vector<1x1x64x256xf32> to vector<64x256xf32>
    %dot_general3A_377 = arith.constant dense<0.000000e+00> : vector<64x256xf32>
    %dot_general3A_378 = tpu.matmul %get3A_376, %get3A_1, %dot_general3A_377 {dimension_numbers = #tpu.dot_dimension_numbers<[1], [0], [0], [1], [0, 0, 1, 1], [], []>, transpose_lhs_hint = false} : vector<64x256xf32>, vector<256x256xf32>, vector<64x256xf32> -> vector<64x256xf32>
    %swap3A_379 = arith.index_cast %rem3A_2 : i32 to index
    %swap3A_380 = arith.constant 1 : index
    %swap3A_381 = arith.constant 7 : index
    %swap3A_382 = arith.constant 0 : index
    %swap3A_383 = arith.constant 0 : index
    %swap3A_384 = vector.load %arg4[%swap3A_379, %swap3A_380, %swap3A_381, %swap3A_382, %swap3A_383] : memref<3x4x16x64x256xf32, #tpu.memory_space<vmem>>, vector<1x1x1x64x256xf32>
    %swap3A_385 = vector.shape_cast %swap3A_384 : vector<1x1x1x64x256xf32> to vector<64x256xf32>
    %swap3A_386 = vector.shape_cast %dot_general3A_378 : vector<64x256xf32> to vector<1x1x1x64x256xf32>
    tpu.vector_store %arg4[%swap3A_379, %swap3A_380, %swap3A_381, %swap3A_382, %swap3A_383], %swap3A_386 {strides = array<i32>} : memref<3x4x16x64x256xf32, #tpu.memory_space<vmem>>, vector<1x1x1x64x256xf32>,
    %get3A_387 = arith.constant 8 : index
    %get3A_388 = arith.constant 1 : index
    %get3A_389 = arith.constant 0 : index
    %get3A_390 = arith.constant 0 : index
    %get3A_391 = vector.load %arg2[%get3A_387, %get3A_388, %get3A_389, %get3A_390] : memref<16x4x64x256xf32, #tpu.memory_space<vmem>>, vector<1x1x64x256xf32>
    %get3A_392 = vector.shape_cast %get3A_391 : vector<1x1x64x256xf32> to vector<64x256xf32>
    %dot_general3A_393 = arith.constant dense<0.000000e+00> : vector<64x256xf32>
    %dot_general3A_394 = tpu.matmul %get3A_392, %get3A_1, %dot_general3A_393 {dimension_numbers = #tpu.dot_dimension_numbers<[1], [0], [0], [1], [0, 0, 1, 1], [], []>, transpose_lhs_hint = false} : vector<64x256xf32>, vector<256x256xf32>, vector<64x256xf32> -> vector<64x256xf32>
    %swap3A_395 = arith.index_cast %rem3A_2 : i32 to index
    %swap3A_396 = arith.constant 1 : index
    %swap3A_397 = arith.constant 8 : index
    %swap3A_398 = arith.constant 0 : index
    %swap3A_399 = arith.constant 0 : index
    %swap3A_400 = vector.load %arg4[%swap3A_395, %swap3A_396, %swap3A_397, %swap3A_398, %swap3A_399] : memref<3x4x16x64x256xf32, #tpu.memory_space<vmem>>, vector<1x1x1x64x256xf32>
    %swap3A_401 = vector.shape_cast %swap3A_400 : vector<1x1x1x64x256xf32> to vector<64x256xf32>
    %swap3A_402 = vector.shape_cast %dot_general3A_394 : vector<64x256xf32> to vector<1x1x1x64x256xf32>
    tpu.vector_store %arg4[%swap3A_395, %swap3A_396, %swap3A_397, %swap3A_398, %swap3A_399], %swap3A_402 {strides = array<i32>} : memref<3x4x16x64x256xf32, #tpu.memory_space<vmem>>, vector<1x1x1x64x256xf32>,
    %get3A_403 = arith.constant 9 : index
    %get3A_404 = arith.constant 1 : index
    %get3A_405 = arith.constant 0 : index
    %get3A_406 = arith.constant 0 : index
    %get3A_407 = vector.load %arg2[%get3A_403, %get3A_404, %get3A_405, %get3A_406] : memref<16x4x64x256xf32, #tpu.memory_space<vmem>>, vector<1x1x64x256xf32>
    %get3A_408 = vector.shape_cast %get3A_407 : vector<1x1x64x256xf32> to vector<64x256xf32>
    %dot_general3A_409 = arith.constant dense<0.000000e+00> : vector<64x256xf32>
    %dot_general3A_410 = tpu.matmul %get3A_408, %get3A_1, %dot_general3A_409 {dimension_numbers = #tpu.dot_dimension_numbers<[1], [0], [0], [1], [0, 0, 1, 1], [], []>, transpose_lhs_hint = false} : vector<64x256xf32>, vector<256x256xf32>, vector<64x256xf32> -> vector<64x256xf32>
    %swap3A_411 = arith.index_cast %rem3A_2 : i32 to index
    %swap3A_412 = arith.constant 1 : index
    %swap3A_413 = arith.constant 9 : index
    %swap3A_414 = arith.constant 0 : index
    %swap3A_415 = arith.constant 0 : index
    %swap3A_416 = vector.load %arg4[%swap3A_411, %swap3A_412, %swap3A_413, %swap3A_414, %swap3A_415] : memref<3x4x16x64x256xf32, #tpu.memory_space<vmem>>, vector<1x1x1x64x256xf32>
    %swap3A_417 = vector.shape_cast %swap3A_416 : vector<1x1x1x64x256xf32> to vector<64x256xf32>
    %swap3A_418 = vector.shape_cast %dot_general3A_410 : vector<64x256xf32> to vector<1x1x1x64x256xf32>
    tpu.vector_store %arg4[%swap3A_411, %swap3A_412, %swap3A_413, %swap3A_414, %swap3A_415], %swap3A_418 {strides = array<i32>} : memref<3x4x16x64x256xf32, #tpu.memory_space<vmem>>, vector<1x1x1x64x256xf32>,
    %get3A_419 = arith.constant 10 : index
    %get3A_420 = arith.constant 1 : index
    %get3A_421 = arith.constant 0 : index
    %get3A_422 = arith.constant 0 : index
    %get3A_423 = vector.load %arg2[%get3A_419, %get3A_420, %get3A_421, %get3A_422] : memref<16x4x64x256xf32, #tpu.memory_space<vmem>>, vector<1x1x64x256xf32>
    %get3A_424 = vector.shape_cast %get3A_423 : vector<1x1x64x256xf32> to vector<64x256xf32>
    %dot_general3A_425 = arith.constant dense<0.000000e+00> : vector<64x256xf32>
    %dot_general3A_426 = tpu.matmul %get3A_424, %get3A_1, %dot_general3A_425 {dimension_numbers = #tpu.dot_dimension_numbers<[1], [0], [0], [1], [0, 0, 1, 1], [], []>, transpose_lhs_hint = false} : vector<64x256xf32>, vector<256x256xf32>, vector<64x256xf32> -> vector<64x256xf32>
    %swap3A_427 = arith.index_cast %rem3A_2 : i32 to index
    %swap3A_428 = arith.constant 1 : index
    %swap3A_429 = arith.constant 10 : index
    %swap3A_430 = arith.constant 0 : index
    %swap3A_431 = arith.constant 0 : index
    %swap3A_432 = vector.load %arg4[%swap3A_427, %swap3A_428, %swap3A_429, %swap3A_430, %swap3A_431] : memref<3x4x16x64x256xf32, #tpu.memory_space<vmem>>, vector<1x1x1x64x256xf32>
    %swap3A_433 = vector.shape_cast %swap3A_432 : vector<1x1x1x64x256xf32> to vector<64x256xf32>
    %swap3A_434 = vector.shape_cast %dot_general3A_426 : vector<64x256xf32> to vector<1x1x1x64x256xf32>
    tpu.vector_store %arg4[%swap3A_427, %swap3A_428, %swap3A_429, %swap3A_430, %swap3A_431], %swap3A_434 {strides = array<i32>} : memref<3x4x16x64x256xf32, #tpu.memory_space<vmem>>, vector<1x1x1x64x256xf32>,
    %get3A_435 = arith.constant 11 : index
    %get3A_436 = arith.constant 1 : index
    %get3A_437 = arith.constant 0 : index
    %get3A_438 = arith.constant 0 : index
    %get3A_439 = vector.load %arg2[%get3A_435, %get3A_436, %get3A_437, %get3A_438] : memref<16x4x64x256xf32, #tpu.memory_space<vmem>>, vector<1x1x64x256xf32>
    %get3A_440 = vector.shape_cast %get3A_439 : vector<1x1x64x256xf32> to vector<64x256xf32>
    %dot_general3A_441 = arith.constant dense<0.000000e+00> : vector<64x256xf32>
    %dot_general3A_442 = tpu.matmul %get3A_440, %get3A_1, %dot_general3A_441 {dimension_numbers = #tpu.dot_dimension_numbers<[1], [0], [0], [1], [0, 0, 1, 1], [], []>, transpose_lhs_hint = false} : vector<64x256xf32>, vector<256x256xf32>, vector<64x256xf32> -> vector<64x256xf32>
    %swap3A_443 = arith.index_cast %rem3A_2 : i32 to index
    %swap3A_444 = arith.constant 1 : index
    %swap3A_445 = arith.constant 11 : index
    %swap3A_446 = arith.constant 0 : index
    %swap3A_447 = arith.constant 0 : index
    %swap3A_448 = vector.load %arg4[%swap3A_443, %swap3A_444, %swap3A_445, %swap3A_446, %swap3A_447] : memref<3x4x16x64x256xf32, #tpu.memory_space<vmem>>, vector<1x1x1x64x256xf32>
    %swap3A_449 = vector.shape_cast %swap3A_448 : vector<1x1x1x64x256xf32> to vector<64x256xf32>
    %swap3A_450 = vector.shape_cast %dot_general3A_442 : vector<64x256xf32> to vector<1x1x1x64x256xf32>
    tpu.vector_store %arg4[%swap3A_443, %swap3A_444, %swap3A_445, %swap3A_446, %swap3A_447], %swap3A_450 {strides = array<i32>} : memref<3x4x16x64x256xf32, #tpu.memory_space<vmem>>, vector<1x1x1x64x256xf32>,
    %get3A_451 = arith.constant 12 : index
    %get3A_452 = arith.constant 1 : index
    %get3A_453 = arith.constant 0 : index
    %get3A_454 = arith.constant 0 : index
    %get3A_455 = vector.load %arg2[%get3A_451, %get3A_452, %get3A_453, %get3A_454] : memref<16x4x64x256xf32, #tpu.memory_space<vmem>>, vector<1x1x64x256xf32>
    %get3A_456 = vector.shape_cast %get3A_455 : vector<1x1x64x256xf32> to vector<64x256xf32>
    %dot_general3A_457 = arith.constant dense<0.000000e+00> : vector<64x256xf32>
    %dot_general3A_458 = tpu.matmul %get3A_456, %get3A_1, %dot_general3A_457 {dimension_numbers = #tpu.dot_dimension_numbers<[1], [0], [0], [1], [0, 0, 1, 1], [], []>, transpose_lhs_hint = false} : vector<64x256xf32>, vector<256x256xf32>, vector<64x256xf32> -> vector<64x256xf32>
    %swap3A_459 = arith.index_cast %rem3A_2 : i32 to index
    %swap3A_460 = arith.constant 1 : index
    %swap3A_461 = arith.constant 12 : index
    %swap3A_462 = arith.constant 0 : index
    %swap3A_463 = arith.constant 0 : index
    %swap3A_464 = vector.load %arg4[%swap3A_459, %swap3A_460, %swap3A_461, %swap3A_462, %swap3A_463] : memref<3x4x16x64x256xf32, #tpu.memory_space<vmem>>, vector<1x1x1x64x256xf32>
    %swap3A_465 = vector.shape_cast %swap3A_464 : vector<1x1x1x64x256xf32> to vector<64x256xf32>
    %swap3A_466 = vector.shape_cast %dot_general3A_458 : vector<64x256xf32> to vector<1x1x1x64x256xf32>
    tpu.vector_store %arg4[%swap3A_459, %swap3A_460, %swap3A_461, %swap3A_462, %swap3A_463], %swap3A_466 {strides = array<i32>} : memref<3x4x16x64x256xf32, #tpu.memory_space<vmem>>, vector<1x1x1x64x256xf32>,
    %get3A_467 = arith.constant 13 : index
    %get3A_468 = arith.constant 1 : index
    %get3A_469 = arith.constant 0 : index
    %get3A_470 = arith.constant 0 : index
    %get3A_471 = vector.load %arg2[%get3A_467, %get3A_468, %get3A_469, %get3A_470] : memref<16x4x64x256xf32, #tpu.memory_space<vmem>>, vector<1x1x64x256xf32>
    %get3A_472 = vector.shape_cast %get3A_471 : vector<1x1x64x256xf32> to vector<64x256xf32>
    %dot_general3A_473 = arith.constant dense<0.000000e+00> : vector<64x256xf32>
    %dot_general3A_474 = tpu.matmul %get3A_472, %get3A_1, %dot_general3A_473 {dimension_numbers = #tpu.dot_dimension_numbers<[1], [0], [0], [1], [0, 0, 1, 1], [], []>, transpose_lhs_hint = false} : vector<64x256xf32>, vector<256x256xf32>, vector<64x256xf32> -> vector<64x256xf32>
    %swap3A_475 = arith.index_cast %rem3A_2 : i32 to index
    %swap3A_476 = arith.constant 1 : index
    %swap3A_477 = arith.constant 13 : index
    %swap3A_478 = arith.constant 0 : index
    %swap3A_479 = arith.constant 0 : index
    %swap3A_480 = vector.load %arg4[%swap3A_475, %swap3A_476, %swap3A_477, %swap3A_478, %swap3A_479] : memref<3x4x16x64x256xf32, #tpu.memory_space<vmem>>, vector<1x1x1x64x256xf32>
    %swap3A_481 = vector.shape_cast %swap3A_480 : vector<1x1x1x64x256xf32> to vector<64x256xf32>
    %swap3A_482 = vector.shape_cast %dot_general3A_474 : vector<64x256xf32> to vector<1x1x1x64x256xf32>
    tpu.vector_store %arg4[%swap3A_475, %swap3A_476, %swap3A_477, %swap3A_478, %swap3A_479], %swap3A_482 {strides = array<i32>} : memref<3x4x16x64x256xf32, #tpu.memory_space<vmem>>, vector<1x1x1x64x256xf32>,
    %get3A_483 = arith.constant 14 : index
    %get3A_484 = arith.constant 1 : index
    %get3A_485 = arith.constant 0 : index
    %get3A_486 = arith.constant 0 : index
    %get3A_487 = vector.load %arg2[%get3A_483, %get3A_484, %get3A_485, %get3A_486] : memref<16x4x64x256xf32, #tpu.memory_space<vmem>>, vector<1x1x64x256xf32>
    %get3A_488 = vector.shape_cast %get3A_487 : vector<1x1x64x256xf32> to vector<64x256xf32>
    %dot_general3A_489 = arith.constant dense<0.000000e+00> : vector<64x256xf32>
    %dot_general3A_490 = tpu.matmul %get3A_488, %get3A_1, %dot_general3A_489 {dimension_numbers = #tpu.dot_dimension_numbers<[1], [0], [0], [1], [0, 0, 1, 1], [], []>, transpose_lhs_hint = false} : vector<64x256xf32>, vector<256x256xf32>, vector<64x256xf32> -> vector<64x256xf32>
    %swap3A_491 = arith.index_cast %rem3A_2 : i32 to index
    %swap3A_492 = arith.constant 1 : index
    %swap3A_493 = arith.constant 14 : index
    %swap3A_494 = arith.constant 0 : index
    %swap3A_495 = arith.constant 0 : index
    %swap3A_496 = vector.load %arg4[%swap3A_491, %swap3A_492, %swap3A_493, %swap3A_494, %swap3A_495] : memref<3x4x16x64x256xf32, #tpu.memory_space<vmem>>, vector<1x1x1x64x256xf32>
    %swap3A_497 = vector.shape_cast %swap3A_496 : vector<1x1x1x64x256xf32> to vector<64x256xf32>
    %swap3A_498 = vector.shape_cast %dot_general3A_490 : vector<64x256xf32> to vector<1x1x1x64x256xf32>
    tpu.vector_store %arg4[%swap3A_491, %swap3A_492, %swap3A_493, %swap3A_494, %swap3A_495], %swap3A_498 {strides = array<i32>} : memref<3x4x16x64x256xf32, #tpu.memory_space<vmem>>, vector<1x1x1x64x256xf32>,
    %get3A_499 = arith.constant 15 : index
    %get3A_500 = arith.constant 1 : index
    %get3A_501 = arith.constant 0 : index
    %get3A_502 = arith.constant 0 : index
    %get3A_503 = vector.load %arg2[%get3A_499, %get3A_500, %get3A_501, %get3A_502] : memref<16x4x64x256xf32, #tpu.memory_space<vmem>>, vector<1x1x64x256xf32>
    %get3A_504 = vector.shape_cast %get3A_503 : vector<1x1x64x256xf32> to vector<64x256xf32>
    %dot_general3A_505 = arith.constant dense<0.000000e+00> : vector<64x256xf32>
    %dot_general3A_506 = tpu.matmul %get3A_504, %get3A_1, %dot_general3A_505 {dimension_numbers = #tpu.dot_dimension_numbers<[1], [0], [0], [1], [0, 0, 1, 1], [], []>, transpose_lhs_hint = false} : vector<64x256xf32>, vector<256x256xf32>, vector<64x256xf32> -> vector<64x256xf32>
    %swap3A_507 = arith.index_cast %rem3A_2 : i32 to index
    %swap3A_508 = arith.constant 1 : index
    %swap3A_509 = arith.constant 15 : index
    %swap3A_510 = arith.constant 0 : index
    %swap3A_511 = arith.constant 0 : index
    %swap3A_512 = vector.load %arg4[%swap3A_507, %swap3A_508, %swap3A_509, %swap3A_510, %swap3A_511] : memref<3x4x16x64x256xf32, #tpu.memory_space<vmem>>, vector<1x1x1x64x256xf32>
    %swap3A_513 = vector.shape_cast %swap3A_512 : vector<1x1x1x64x256xf32> to vector<64x256xf32>
    %swap3A_514 = vector.shape_cast %dot_general3A_506 : vector<64x256xf32> to vector<1x1x1x64x256xf32>
    tpu.vector_store %arg4[%swap3A_507, %swap3A_508, %swap3A_509, %swap3A_510, %swap3A_511], %swap3A_514 {strides = array<i32>} : memref<3x4x16x64x256xf32, #tpu.memory_space<vmem>>, vector<1x1x1x64x256xf32>,
    %get3A_515 = arith.constant 0 : index
    %get3A_516 = arith.constant 2 : index
    %get3A_517 = arith.constant 0 : index
    %get3A_518 = arith.constant 0 : index
    %get3A_519 = vector.load %arg2[%get3A_515, %get3A_516, %get3A_517, %get3A_518] : memref<16x4x64x256xf32, #tpu.memory_space<vmem>>, vector<1x1x64x256xf32>
    %get3A_520 = vector.shape_cast %get3A_519 : vector<1x1x64x256xf32> to vector<64x256xf32>
    %dot_general3A_521 = arith.constant dense<0.000000e+00> : vector<64x256xf32>
    %dot_general3A_522 = tpu.matmul %get3A_520, %get3A_1, %dot_general3A_521 {dimension_numbers = #tpu.dot_dimension_numbers<[1], [0], [0], [1], [0, 0, 1, 1], [], []>, transpose_lhs_hint = false} : vector<64x256xf32>, vector<256x256xf32>, vector<64x256xf32> -> vector<64x256xf32>
    %swap3A_523 = arith.index_cast %rem3A_2 : i32 to index
    %swap3A_524 = arith.constant 2 : index
    %swap3A_525 = arith.constant 0 : index
    %swap3A_526 = arith.constant 0 : index
    %swap3A_527 = arith.constant 0 : index
    %swap3A_528 = vector.load %arg4[%swap3A_523, %swap3A_524, %swap3A_525, %swap3A_526, %swap3A_527] : memref<3x4x16x64x256xf32, #tpu.memory_space<vmem>>, vector<1x1x1x64x256xf32>
    %swap3A_529 = vector.shape_cast %swap3A_528 : vector<1x1x1x64x256xf32> to vector<64x256xf32>
    %swap3A_530 = vector.shape_cast %dot_general3A_522 : vector<64x256xf32> to vector<1x1x1x64x256xf32>
    tpu.vector_store %arg4[%swap3A_523, %swap3A_524, %swap3A_525, %swap3A_526, %swap3A_527], %swap3A_530 {strides = array<i32>} : memref<3x4x16x64x256xf32, #tpu.memory_space<vmem>>, vector<1x1x1x64x256xf32>,
    %get3A_531 = arith.constant 1 : index
    %get3A_532 = arith.constant 2 : index
    %get3A_533 = arith.constant 0 : index
    %get3A_534 = arith.constant 0 : index
    %get3A_535 = vector.load %arg2[%get3A_531, %get3A_532, %get3A_533, %get3A_534] : memref<16x4x64x256xf32, #tpu.memory_space<vmem>>, vector<1x1x64x256xf32>
    %get3A_536 = vector.shape_cast %get3A_535 : vector<1x1x64x256xf32> to vector<64x256xf32>
    %dot_general3A_537 = arith.constant dense<0.000000e+00> : vector<64x256xf32>
    %dot_general3A_538 = tpu.matmul %get3A_536, %get3A_1, %dot_general3A_537 {dimension_numbers = #tpu.dot_dimension_numbers<[1], [0], [0], [1], [0, 0, 1, 1], [], []>, transpose_lhs_hint = false} : vector<64x256xf32>, vector<256x256xf32>, vector<64x256xf32> -> vector<64x256xf32>
    %swap3A_539 = arith.index_cast %rem3A_2 : i32 to index
    %swap3A_540 = arith.constant 2 : index
    %swap3A_541 = arith.constant 1 : index
    %swap3A_542 = arith.constant 0 : index
    %swap3A_543 = arith.constant 0 : index
    %swap3A_544 = vector.load %arg4[%swap3A_539, %swap3A_540, %swap3A_541, %swap3A_542, %swap3A_543] : memref<3x4x16x64x256xf32, #tpu.memory_space<vmem>>, vector<1x1x1x64x256xf32>
    %swap3A_545 = vector.shape_cast %swap3A_544 : vector<1x1x1x64x256xf32> to vector<64x256xf32>
    %swap3A_546 = vector.shape_cast %dot_general3A_538 : vector<64x256xf32> to vector<1x1x1x64x256xf32>
    tpu.vector_store %arg4[%swap3A_539, %swap3A_540, %swap3A_541, %swap3A_542, %swap3A_543], %swap3A_546 {strides = array<i32>} : memref<3x4x16x64x256xf32, #tpu.memory_space<vmem>>, vector<1x1x1x64x256xf32>,
    %get3A_547 = arith.constant 2 : index
    %get3A_548 = arith.constant 2 : index
    %get3A_549 = arith.constant 0 : index
    %get3A_550 = arith.constant 0 : index
    %get3A_551 = vector.load %arg2[%get3A_547, %get3A_548, %get3A_549, %get3A_550] : memref<16x4x64x256xf32, #tpu.memory_space<vmem>>, vector<1x1x64x256xf32>
    %get3A_552 = vector.shape_cast %get3A_551 : vector<1x1x64x256xf32> to vector<64x256xf32>
    %dot_general3A_553 = arith.constant dense<0.000000e+00> : vector<64x256xf32>
    %dot_general3A_554 = tpu.matmul %get3A_552, %get3A_1, %dot_general3A_553 {dimension_numbers = #tpu.dot_dimension_numbers<[1], [0], [0], [1], [0, 0, 1, 1], [], []>, transpose_lhs_hint = false} : vector<64x256xf32>, vector<256x256xf32>, vector<64x256xf32> -> vector<64x256xf32>
    %swap3A_555 = arith.index_cast %rem3A_2 : i32 to index
    %swap3A_556 = arith.constant 2 : index
    %swap3A_557 = arith.constant 2 : index
    %swap3A_558 = arith.constant 0 : index
    %swap3A_559 = arith.constant 0 : index
    %swap3A_560 = vector.load %arg4[%swap3A_555, %swap3A_556, %swap3A_557, %swap3A_558, %swap3A_559] : memref<3x4x16x64x256xf32, #tpu.memory_space<vmem>>, vector<1x1x1x64x256xf32>
    %swap3A_561 = vector.shape_cast %swap3A_560 : vector<1x1x1x64x256xf32> to vector<64x256xf32>
    %swap3A_562 = vector.shape_cast %dot_general3A_554 : vector<64x256xf32> to vector<1x1x1x64x256xf32>
    tpu.vector_store %arg4[%swap3A_555, %swap3A_556, %swap3A_557, %swap3A_558, %swap3A_559], %swap3A_562 {strides = array<i32>} : memref<3x4x16x64x256xf32, #tpu.memory_space<vmem>>, vector<1x1x1x64x256xf32>,
    %get3A_563 = arith.constant 3 : index
    %get3A_564 = arith.constant 2 : index
    %get3A_565 = arith.constant 0 : index
    %get3A_566 = arith.constant 0 : index
    %get3A_567 = vector.load %arg2[%get3A_563, %get3A_564, %get3A_565, %get3A_566] : memref<16x4x64x256xf32, #tpu.memory_space<vmem>>, vector<1x1x64x256xf32>
    %get3A_568 = vector.shape_cast %get3A_567 : vector<1x1x64x256xf32> to vector<64x256xf32>
    %dot_general3A_569 = arith.constant dense<0.000000e+00> : vector<64x256xf32>
    %dot_general3A_570 = tpu.matmul %get3A_568, %get3A_1, %dot_general3A_569 {dimension_numbers = #tpu.dot_dimension_numbers<[1], [0], [0], [1], [0, 0, 1, 1], [], []>, transpose_lhs_hint = false} : vector<64x256xf32>, vector<256x256xf32>, vector<64x256xf32> -> vector<64x256xf32>
    %swap3A_571 = arith.index_cast %rem3A_2 : i32 to index
    %swap3A_572 = arith.constant 2 : index
    %swap3A_573 = arith.constant 3 : index
    %swap3A_574 = arith.constant 0 : index
    %swap3A_575 = arith.constant 0 : index
    %swap3A_576 = vector.load %arg4[%swap3A_571, %swap3A_572, %swap3A_573, %swap3A_574, %swap3A_575] : memref<3x4x16x64x256xf32, #tpu.memory_space<vmem>>, vector<1x1x1x64x256xf32>
    %swap3A_577 = vector.shape_cast %swap3A_576 : vector<1x1x1x64x256xf32> to vector<64x256xf32>
    %swap3A_578 = vector.shape_cast %dot_general3A_570 : vector<64x256xf32> to vector<1x1x1x64x256xf32>
    tpu.vector_store %arg4[%swap3A_571, %swap3A_572, %swap3A_573, %swap3A_574, %swap3A_575], %swap3A_578 {strides = array<i32>} : memref<3x4x16x64x256xf32, #tpu.memory_space<vmem>>, vector<1x1x1x64x256xf32>,
    %get3A_579 = arith.constant 4 : index
    %get3A_580 = arith.constant 2 : index
    %get3A_581 = arith.constant 0 : index
    %get3A_582 = arith.constant 0 : index
    %get3A_583 = vector.load %arg2[%get3A_579, %get3A_580, %get3A_581, %get3A_582] : memref<16x4x64x256xf32, #tpu.memory_space<vmem>>, vector<1x1x64x256xf32>
    %get3A_584 = vector.shape_cast %get3A_583 : vector<1x1x64x256xf32> to vector<64x256xf32>
    %dot_general3A_585 = arith.constant dense<0.000000e+00> : vector<64x256xf32>
    %dot_general3A_586 = tpu.matmul %get3A_584, %get3A_1, %dot_general3A_585 {dimension_numbers = #tpu.dot_dimension_numbers<[1], [0], [0], [1], [0, 0, 1, 1], [], []>, transpose_lhs_hint = false} : vector<64x256xf32>, vector<256x256xf32>, vector<64x256xf32> -> vector<64x256xf32>
    %swap3A_587 = arith.index_cast %rem3A_2 : i32 to index
    %swap3A_588 = arith.constant 2 : index
    %swap3A_589 = arith.constant 4 : index
    %swap3A_590 = arith.constant 0 : index
    %swap3A_591 = arith.constant 0 : index
    %swap3A_592 = vector.load %arg4[%swap3A_587, %swap3A_588, %swap3A_589, %swap3A_590, %swap3A_591] : memref<3x4x16x64x256xf32, #tpu.memory_space<vmem>>, vector<1x1x1x64x256xf32>
    %swap3A_593 = vector.shape_cast %swap3A_592 : vector<1x1x1x64x256xf32> to vector<64x256xf32>
    %swap3A_594 = vector.shape_cast %dot_general3A_586 : vector<64x256xf32> to vector<1x1x1x64x256xf32>
    tpu.vector_store %arg4[%swap3A_587, %swap3A_588, %swap3A_589, %swap3A_590, %swap3A_591], %swap3A_594 {strides = array<i32>} : memref<3x4x16x64x256xf32, #tpu.memory_space<vmem>>, vector<1x1x1x64x256xf32>,
    %get3A_595 = arith.constant 5 : index
    %get3A_596 = arith.constant 2 : index
    %get3A_597 = arith.constant 0 : index
    %get3A_598 = arith.constant 0 : index
    %get3A_599 = vector.load %arg2[%get3A_595, %get3A_596, %get3A_597, %get3A_598] : memref<16x4x64x256xf32, #tpu.memory_space<vmem>>, vector<1x1x64x256xf32>
    %get3A_600 = vector.shape_cast %get3A_599 : vector<1x1x64x256xf32> to vector<64x256xf32>
    %dot_general3A_601 = arith.constant dense<0.000000e+00> : vector<64x256xf32>
    %dot_general3A_602 = tpu.matmul %get3A_600, %get3A_1, %dot_general3A_601 {dimension_numbers = #tpu.dot_dimension_numbers<[1], [0], [0], [1], [0, 0, 1, 1], [], []>, transpose_lhs_hint = false} : vector<64x256xf32>, vector<256x256xf32>, vector<64x256xf32> -> vector<64x256xf32>
    %swap3A_603 = arith.index_cast %rem3A_2 : i32 to index
    %swap3A_604 = arith.constant 2 : index
    %swap3A_605 = arith.constant 5 : index
    %swap3A_606 = arith.constant 0 : index
    %swap3A_607 = arith.constant 0 : index
    %swap3A_608 = vector.load %arg4[%swap3A_603, %swap3A_604, %swap3A_605, %swap3A_606, %swap3A_607] : memref<3x4x16x64x256xf32, #tpu.memory_space<vmem>>, vector<1x1x1x64x256xf32>
    %swap3A_609 = vector.shape_cast %swap3A_608 : vector<1x1x1x64x256xf32> to vector<64x256xf32>
    %swap3A_610 = vector.shape_cast %dot_general3A_602 : vector<64x256xf32> to vector<1x1x1x64x256xf32>
    tpu.vector_store %arg4[%swap3A_603, %swap3A_604, %swap3A_605, %swap3A_606, %swap3A_607], %swap3A_610 {strides = array<i32>} : memref<3x4x16x64x256xf32, #tpu.memory_space<vmem>>, vector<1x1x1x64x256xf32>,
    %get3A_611 = arith.constant 6 : index
    %get3A_612 = arith.constant 2 : index
    %get3A_613 = arith.constant 0 : index
    %get3A_614 = arith.constant 0 : index
    %get3A_615 = vector.load %arg2[%get3A_611, %get3A_612, %get3A_613, %get3A_614] : memref<16x4x64x256xf32, #tpu.memory_space<vmem>>, vector<1x1x64x256xf32>
    %get3A_616 = vector.shape_cast %get3A_615 : vector<1x1x64x256xf32> to vector<64x256xf32>
    %dot_general3A_617 = arith.constant dense<0.000000e+00> : vector<64x256xf32>
    %dot_general3A_618 = tpu.matmul %get3A_616, %get3A_1, %dot_general3A_617 {dimension_numbers = #tpu.dot_dimension_numbers<[1], [0], [0], [1], [0, 0, 1, 1], [], []>, transpose_lhs_hint = false} : vector<64x256xf32>, vector<256x256xf32>, vector<64x256xf32> -> vector<64x256xf32>
    %swap3A_619 = arith.index_cast %rem3A_2 : i32 to index
    %swap3A_620 = arith.constant 2 : index
    %swap3A_621 = arith.constant 6 : index
    %swap3A_622 = arith.constant 0 : index
    %swap3A_623 = arith.constant 0 : index
    %swap3A_624 = vector.load %arg4[%swap3A_619, %swap3A_620, %swap3A_621, %swap3A_622, %swap3A_623] : memref<3x4x16x64x256xf32, #tpu.memory_space<vmem>>, vector<1x1x1x64x256xf32>
    %swap3A_625 = vector.shape_cast %swap3A_624 : vector<1x1x1x64x256xf32> to vector<64x256xf32>
    %swap3A_626 = vector.shape_cast %dot_general3A_618 : vector<64x256xf32> to vector<1x1x1x64x256xf32>
    tpu.vector_store %arg4[%swap3A_619, %swap3A_620, %swap3A_621, %swap3A_622, %swap3A_623], %swap3A_626 {strides = array<i32>} : memref<3x4x16x64x256xf32, #tpu.memory_space<vmem>>, vector<1x1x1x64x256xf32>,
    %get3A_627 = arith.constant 7 : index
    %get3A_628 = arith.constant 2 : index
    %get3A_629 = arith.constant 0 : index
    %get3A_630 = arith.constant 0 : index
    %get3A_631 = vector.load %arg2[%get3A_627, %get3A_628, %get3A_629, %get3A_630] : memref<16x4x64x256xf32, #tpu.memory_space<vmem>>, vector<1x1x64x256xf32>
    %get3A_632 = vector.shape_cast %get3A_631 : vector<1x1x64x256xf32> to vector<64x256xf32>
    %dot_general3A_633 = arith.constant dense<0.000000e+00> : vector<64x256xf32>
    %dot_general3A_634 = tpu.matmul %get3A_632, %get3A_1, %dot_general3A_633 {dimension_numbers = #tpu.dot_dimension_numbers<[1], [0], [0], [1], [0, 0, 1, 1], [], []>, transpose_lhs_hint = false} : vector<64x256xf32>, vector<256x256xf32>, vector<64x256xf32> -> vector<64x256xf32>
    %swap3A_635 = arith.index_cast %rem3A_2 : i32 to index
    %swap3A_636 = arith.constant 2 : index
    %swap3A_637 = arith.constant 7 : index
    %swap3A_638 = arith.constant 0 : index
    %swap3A_639 = arith.constant 0 : index
    %swap3A_640 = vector.load %arg4[%swap3A_635, %swap3A_636, %swap3A_637, %swap3A_638, %swap3A_639] : memref<3x4x16x64x256xf32, #tpu.memory_space<vmem>>, vector<1x1x1x64x256xf32>
    %swap3A_641 = vector.shape_cast %swap3A_640 : vector<1x1x1x64x256xf32> to vector<64x256xf32>
    %swap3A_642 = vector.shape_cast %dot_general3A_634 : vector<64x256xf32> to vector<1x1x1x64x256xf32>
    tpu.vector_store %arg4[%swap3A_635, %swap3A_636, %swap3A_637, %swap3A_638, %swap3A_639], %swap3A_642 {strides = array<i32>} : memref<3x4x16x64x256xf32, #tpu.memory_space<vmem>>, vector<1x1x1x64x256xf32>,
    %get3A_643 = arith.constant 8 : index
    %get3A_644 = arith.constant 2 : index
    %get3A_645 = arith.constant 0 : index
    %get3A_646 = arith.constant 0 : index
    %get3A_647 = vector.load %arg2[%get3A_643, %get3A_644, %get3A_645, %get3A_646] : memref<16x4x64x256xf32, #tpu.memory_space<vmem>>, vector<1x1x64x256xf32>
    %get3A_648 = vector.shape_cast %get3A_647 : vector<1x1x64x256xf32> to vector<64x256xf32>
    %dot_general3A_649 = arith.constant dense<0.000000e+00> : vector<64x256xf32>
    %dot_general3A_650 = tpu.matmul %get3A_648, %get3A_1, %dot_general3A_649 {dimension_numbers = #tpu.dot_dimension_numbers<[1], [0], [0], [1], [0, 0, 1, 1], [], []>, transpose_lhs_hint = false} : vector<64x256xf32>, vector<256x256xf32>, vector<64x256xf32> -> vector<64x256xf32>
    %swap3A_651 = arith.index_cast %rem3A_2 : i32 to index
    %swap3A_652 = arith.constant 2 : index
    %swap3A_653 = arith.constant 8 : index
    %swap3A_654 = arith.constant 0 : index
    %swap3A_655 = arith.constant 0 : index
    %swap3A_656 = vector.load %arg4[%swap3A_651, %swap3A_652, %swap3A_653, %swap3A_654, %swap3A_655] : memref<3x4x16x64x256xf32, #tpu.memory_space<vmem>>, vector<1x1x1x64x256xf32>
    %swap3A_657 = vector.shape_cast %swap3A_656 : vector<1x1x1x64x256xf32> to vector<64x256xf32>
    %swap3A_658 = vector.shape_cast %dot_general3A_650 : vector<64x256xf32> to vector<1x1x1x64x256xf32>
    tpu.vector_store %arg4[%swap3A_651, %swap3A_652, %swap3A_653, %swap3A_654, %swap3A_655], %swap3A_658 {strides = array<i32>} : memref<3x4x16x64x256xf32, #tpu.memory_space<vmem>>, vector<1x1x1x64x256xf32>,
    %get3A_659 = arith.constant 9 : index
    %get3A_660 = arith.constant 2 : index
    %get3A_661 = arith.constant 0 : index
    %get3A_662 = arith.constant 0 : index
    %get3A_663 = vector.load %arg2[%get3A_659, %get3A_660, %get3A_661, %get3A_662] : memref<16x4x64x256xf32, #tpu.memory_space<vmem>>, vector<1x1x64x256xf32>
    %get3A_664 = vector.shape_cast %get3A_663 : vector<1x1x64x256xf32> to vector<64x256xf32>
    %dot_general3A_665 = arith.constant dense<0.000000e+00> : vector<64x256xf32>
    %dot_general3A_666 = tpu.matmul %get3A_664, %get3A_1, %dot_general3A_665 {dimension_numbers = #tpu.dot_dimension_numbers<[1], [0], [0], [1], [0, 0, 1, 1], [], []>, transpose_lhs_hint = false} : vector<64x256xf32>, vector<256x256xf32>, vector<64x256xf32> -> vector<64x256xf32>
    %swap3A_667 = arith.index_cast %rem3A_2 : i32 to index
    %swap3A_668 = arith.constant 2 : index
    %swap3A_669 = arith.constant 9 : index
    %swap3A_670 = arith.constant 0 : index
    %swap3A_671 = arith.constant 0 : index
    %swap3A_672 = vector.load %arg4[%swap3A_667, %swap3A_668, %swap3A_669, %swap3A_670, %swap3A_671] : memref<3x4x16x64x256xf32, #tpu.memory_space<vmem>>, vector<1x1x1x64x256xf32>
    %swap3A_673 = vector.shape_cast %swap3A_672 : vector<1x1x1x64x256xf32> to vector<64x256xf32>
    %swap3A_674 = vector.shape_cast %dot_general3A_666 : vector<64x256xf32> to vector<1x1x1x64x256xf32>
    tpu.vector_store %arg4[%swap3A_667, %swap3A_668, %swap3A_669, %swap3A_670, %swap3A_671], %swap3A_674 {strides = array<i32>} : memref<3x4x16x64x256xf32, #tpu.memory_space<vmem>>, vector<1x1x1x64x256xf32>,
    %get3A_675 = arith.constant 10 : index
    %get3A_676 = arith.constant 2 : index
    %get3A_677 = arith.constant 0 : index
    %get3A_678 = arith.constant 0 : index
    %get3A_679 = vector.load %arg2[%get3A_675, %get3A_676, %get3A_677, %get3A_678] : memref<16x4x64x256xf32, #tpu.memory_space<vmem>>, vector<1x1x64x256xf32>
    %get3A_680 = vector.shape_cast %get3A_679 : vector<1x1x64x256xf32> to vector<64x256xf32>
    %dot_general3A_681 = arith.constant dense<0.000000e+00> : vector<64x256xf32>
    %dot_general3A_682 = tpu.matmul %get3A_680, %get3A_1, %dot_general3A_681 {dimension_numbers = #tpu.dot_dimension_numbers<[1], [0], [0], [1], [0, 0, 1, 1], [], []>, transpose_lhs_hint = false} : vector<64x256xf32>, vector<256x256xf32>, vector<64x256xf32> -> vector<64x256xf32>
    %swap3A_683 = arith.index_cast %rem3A_2 : i32 to index
    %swap3A_684 = arith.constant 2 : index
    %swap3A_685 = arith.constant 10 : index
    %swap3A_686 = arith.constant 0 : index
    %swap3A_687 = arith.constant 0 : index
    %swap3A_688 = vector.load %arg4[%swap3A_683, %swap3A_684, %swap3A_685, %swap3A_686, %swap3A_687] : memref<3x4x16x64x256xf32, #tpu.memory_space<vmem>>, vector<1x1x1x64x256xf32>
    %swap3A_689 = vector.shape_cast %swap3A_688 : vector<1x1x1x64x256xf32> to vector<64x256xf32>
    %swap3A_690 = vector.shape_cast %dot_general3A_682 : vector<64x256xf32> to vector<1x1x1x64x256xf32>
    tpu.vector_store %arg4[%swap3A_683, %swap3A_684, %swap3A_685, %swap3A_686, %swap3A_687], %swap3A_690 {strides = array<i32>} : memref<3x4x16x64x256xf32, #tpu.memory_space<vmem>>, vector<1x1x1x64x256xf32>,
    %get3A_691 = arith.constant 11 : index
    %get3A_692 = arith.constant 2 : index
    %get3A_693 = arith.constant 0 : index
    %get3A_694 = arith.constant 0 : index
    %get3A_695 = vector.load %arg2[%get3A_691, %get3A_692, %get3A_693, %get3A_694] : memref<16x4x64x256xf32, #tpu.memory_space<vmem>>, vector<1x1x64x256xf32>
    %get3A_696 = vector.shape_cast %get3A_695 : vector<1x1x64x256xf32> to vector<64x256xf32>
    %dot_general3A_697 = arith.constant dense<0.000000e+00> : vector<64x256xf32>
    %dot_general3A_698 = tpu.matmul %get3A_696, %get3A_1, %dot_general3A_697 {dimension_numbers = #tpu.dot_dimension_numbers<[1], [0], [0], [1], [0, 0, 1, 1], [], []>, transpose_lhs_hint = false} : vector<64x256xf32>, vector<256x256xf32>, vector<64x256xf32> -> vector<64x256xf32>
    %swap3A_699 = arith.index_cast %rem3A_2 : i32 to index
    %swap3A_700 = arith.constant 2 : index
    %swap3A_701 = arith.constant 11 : index
    %swap3A_702 = arith.constant 0 : index
    %swap3A_703 = arith.constant 0 : index
    %swap3A_704 = vector.load %arg4[%swap3A_699, %swap3A_700, %swap3A_701, %swap3A_702, %swap3A_703] : memref<3x4x16x64x256xf32, #tpu.memory_space<vmem>>, vector<1x1x1x64x256xf32>
    %swap3A_705 = vector.shape_cast %swap3A_704 : vector<1x1x1x64x256xf32> to vector<64x256xf32>
    %swap3A_706 = vector.shape_cast %dot_general3A_698 : vector<64x256xf32> to vector<1x1x1x64x256xf32>
    tpu.vector_store %arg4[%swap3A_699, %swap3A_700, %swap3A_701, %swap3A_702, %swap3A_703], %swap3A_706 {strides = array<i32>} : memref<3x4x16x64x256xf32, #tpu.memory_space<vmem>>, vector<1x1x1x64x256xf32>,
    %get3A_707 = arith.constant 12 : index
    %get3A_708 = arith.constant 2 : index
    %get3A_709 = arith.constant 0 : index
    %get3A_710 = arith.constant 0 : index
    %get3A_711 = vector.load %arg2[%get3A_707, %get3A_708, %get3A_709, %get3A_710] : memref<16x4x64x256xf32, #tpu.memory_space<vmem>>, vector<1x1x64x256xf32>
    %get3A_712 = vector.shape_cast %get3A_711 : vector<1x1x64x256xf32> to vector<64x256xf32>
    %dot_general3A_713 = arith.constant dense<0.000000e+00> : vector<64x256xf32>
    %dot_general3A_714 = tpu.matmul %get3A_712, %get3A_1, %dot_general3A_713 {dimension_numbers = #tpu.dot_dimension_numbers<[1], [0], [0], [1], [0, 0, 1, 1], [], []>, transpose_lhs_hint = false} : vector<64x256xf32>, vector<256x256xf32>, vector<64x256xf32> -> vector<64x256xf32>
    %swap3A_715 = arith.index_cast %rem3A_2 : i32 to index
    %swap3A_716 = arith.constant 2 : index
    %swap3A_717 = arith.constant 12 : index
    %swap3A_718 = arith.constant 0 : index
    %swap3A_719 = arith.constant 0 : index
    %swap3A_720 = vector.load %arg4[%swap3A_715, %swap3A_716, %swap3A_717, %swap3A_718, %swap3A_719] : memref<3x4x16x64x256xf32, #tpu.memory_space<vmem>>, vector<1x1x1x64x256xf32>
    %swap3A_721 = vector.shape_cast %swap3A_720 : vector<1x1x1x64x256xf32> to vector<64x256xf32>
    %swap3A_722 = vector.shape_cast %dot_general3A_714 : vector<64x256xf32> to vector<1x1x1x64x256xf32>
    tpu.vector_store %arg4[%swap3A_715, %swap3A_716, %swap3A_717, %swap3A_718, %swap3A_719], %swap3A_722 {strides = array<i32>} : memref<3x4x16x64x256xf32, #tpu.memory_space<vmem>>, vector<1x1x1x64x256xf32>,
    %get3A_723 = arith.constant 13 : index
    %get3A_724 = arith.constant 2 : index
    %get3A_725 = arith.constant 0 : index
    %get3A_726 = arith.constant 0 : index
    %get3A_727 = vector.load %arg2[%get3A_723, %get3A_724, %get3A_725, %get3A_726] : memref<16x4x64x256xf32, #tpu.memory_space<vmem>>, vector<1x1x64x256xf32>
    %get3A_728 = vector.shape_cast %get3A_727 : vector<1x1x64x256xf32> to vector<64x256xf32>
    %dot_general3A_729 = arith.constant dense<0.000000e+00> : vector<64x256xf32>
    %dot_general3A_730 = tpu.matmul %get3A_728, %get3A_1, %dot_general3A_729 {dimension_numbers = #tpu.dot_dimension_numbers<[1], [0], [0], [1], [0, 0, 1, 1], [], []>, transpose_lhs_hint = false} : vector<64x256xf32>, vector<256x256xf32>, vector<64x256xf32> -> vector<64x256xf32>
    %swap3A_731 = arith.index_cast %rem3A_2 : i32 to index
    %swap3A_732 = arith.constant 2 : index
    %swap3A_733 = arith.constant 13 : index
    %swap3A_734 = arith.constant 0 : index
    %swap3A_735 = arith.constant 0 : index
    %swap3A_736 = vector.load %arg4[%swap3A_731, %swap3A_732, %swap3A_733, %swap3A_734, %swap3A_735] : memref<3x4x16x64x256xf32, #tpu.memory_space<vmem>>, vector<1x1x1x64x256xf32>
    %swap3A_737 = vector.shape_cast %swap3A_736 : vector<1x1x1x64x256xf32> to vector<64x256xf32>
    %swap3A_738 = vector.shape_cast %dot_general3A_730 : vector<64x256xf32> to vector<1x1x1x64x256xf32>
    tpu.vector_store %arg4[%swap3A_731, %swap3A_732, %swap3A_733, %swap3A_734, %swap3A_735], %swap3A_738 {strides = array<i32>} : memref<3x4x16x64x256xf32, #tpu.memory_space<vmem>>, vector<1x1x1x64x256xf32>,
    %get3A_739 = arith.constant 14 : index
    %get3A_740 = arith.constant 2 : index
    %get3A_741 = arith.constant 0 : index
    %get3A_742 = arith.constant 0 : index
    %get3A_743 = vector.load %arg2[%get3A_739, %get3A_740, %get3A_741, %get3A_742] : memref<16x4x64x256xf32, #tpu.memory_space<vmem>>, vector<1x1x64x256xf32>
    %get3A_744 = vector.shape_cast %get3A_743 : vector<1x1x64x256xf32> to vector<64x256xf32>
    %dot_general3A_745 = arith.constant dense<0.000000e+00> : vector<64x256xf32>
    %dot_general3A_746 = tpu.matmul %get3A_744, %get3A_1, %dot_general3A_745 {dimension_numbers = #tpu.dot_dimension_numbers<[1], [0], [0], [1], [0, 0, 1, 1], [], []>, transpose_lhs_hint = false} : vector<64x256xf32>, vector<256x256xf32>, vector<64x256xf32> -> vector<64x256xf32>
    %swap3A_747 = arith.index_cast %rem3A_2 : i32 to index
    %swap3A_748 = arith.constant 2 : index
    %swap3A_749 = arith.constant 14 : index
    %swap3A_750 = arith.constant 0 : index
    %swap3A_751 = arith.constant 0 : index
    %swap3A_752 = vector.load %arg4[%swap3A_747, %swap3A_748, %swap3A_749, %swap3A_750, %swap3A_751] : memref<3x4x16x64x256xf32, #tpu.memory_space<vmem>>, vector<1x1x1x64x256xf32>
    %swap3A_753 = vector.shape_cast %swap3A_752 : vector<1x1x1x64x256xf32> to vector<64x256xf32>
    %swap3A_754 = vector.shape_cast %dot_general3A_746 : vector<64x256xf32> to vector<1x1x1x64x256xf32>
    tpu.vector_store %arg4[%swap3A_747, %swap3A_748, %swap3A_749, %swap3A_750, %swap3A_751], %swap3A_754 {strides = array<i32>} : memref<3x4x16x64x256xf32, #tpu.memory_space<vmem>>, vector<1x1x1x64x256xf32>,
    %get3A_755 = arith.constant 15 : index
    %get3A_756 = arith.constant 2 : index
    %get3A_757 = arith.constant 0 : index
    %get3A_758 = arith.constant 0 : index
    %get3A_759 = vector.load %arg2[%get3A_755, %get3A_756, %get3A_757, %get3A_758] : memref<16x4x64x256xf32, #tpu.memory_space<vmem>>, vector<1x1x64x256xf32>
    %get3A_760 = vector.shape_cast %get3A_759 : vector<1x1x64x256xf32> to vector<64x256xf32>
    %dot_general3A_761 = arith.constant dense<0.000000e+00> : vector<64x256xf32>
    %dot_general3A_762 = tpu.matmul %get3A_760, %get3A_1, %dot_general3A_761 {dimension_numbers = #tpu.dot_dimension_numbers<[1], [0], [0], [1], [0, 0, 1, 1], [], []>, transpose_lhs_hint = false} : vector<64x256xf32>, vector<256x256xf32>, vector<64x256xf32> -> vector<64x256xf32>
    %swap3A_763 = arith.index_cast %rem3A_2 : i32 to index
    %swap3A_764 = arith.constant 2 : index
    %swap3A_765 = arith.constant 15 : index
    %swap3A_766 = arith.constant 0 : index
    %swap3A_767 = arith.constant 0 : index
    %swap3A_768 = vector.load %arg4[%swap3A_763, %swap3A_764, %swap3A_765, %swap3A_766, %swap3A_767] : memref<3x4x16x64x256xf32, #tpu.memory_space<vmem>>, vector<1x1x1x64x256xf32>
    %swap3A_769 = vector.shape_cast %swap3A_768 : vector<1x1x1x64x256xf32> to vector<64x256xf32>
    %swap3A_770 = vector.shape_cast %dot_general3A_762 : vector<64x256xf32> to vector<1x1x1x64x256xf32>
    tpu.vector_store %arg4[%swap3A_763, %swap3A_764, %swap3A_765, %swap3A_766, %swap3A_767], %swap3A_770 {strides = array<i32>} : memref<3x4x16x64x256xf32, #tpu.memory_space<vmem>>, vector<1x1x1x64x256xf32>,
    %get3A_771 = arith.constant 0 : index
    %get3A_772 = arith.constant 3 : index
    %get3A_773 = arith.constant 0 : index
    %get3A_774 = arith.constant 0 : index
    %get3A_775 = vector.load %arg2[%get3A_771, %get3A_772, %get3A_773, %get3A_774] : memref<16x4x64x256xf32, #tpu.memory_space<vmem>>, vector<1x1x64x256xf32>
    %get3A_776 = vector.shape_cast %get3A_775 : vector<1x1x64x256xf32> to vector<64x256xf32>
    %dot_general3A_777 = arith.constant dense<0.000000e+00> : vector<64x256xf32>
    %dot_general3A_778 = tpu.matmul %get3A_776, %get3A_1, %dot_general3A_777 {dimension_numbers = #tpu.dot_dimension_numbers<[1], [0], [0], [1], [0, 0, 1, 1], [], []>, transpose_lhs_hint = false} : vector<64x256xf32>, vector<256x256xf32>, vector<64x256xf32> -> vector<64x256xf32>
    %swap3A_779 = arith.index_cast %rem3A_2 : i32 to index
    %swap3A_780 = arith.constant 3 : index
    %swap3A_781 = arith.constant 0 : index
    %swap3A_782 = arith.constant 0 : index
    %swap3A_783 = arith.constant 0 : index
    %swap3A_784 = vector.load %arg4[%swap3A_779, %swap3A_780, %swap3A_781, %swap3A_782, %swap3A_783] : memref<3x4x16x64x256xf32, #tpu.memory_space<vmem>>, vector<1x1x1x64x256xf32>
    %swap3A_785 = vector.shape_cast %swap3A_784 : vector<1x1x1x64x256xf32> to vector<64x256xf32>
    %swap3A_786 = vector.shape_cast %dot_general3A_778 : vector<64x256xf32> to vector<1x1x1x64x256xf32>
    tpu.vector_store %arg4[%swap3A_779, %swap3A_780, %swap3A_781, %swap3A_782, %swap3A_783], %swap3A_786 {strides = array<i32>} : memref<3x4x16x64x256xf32, #tpu.memory_space<vmem>>, vector<1x1x1x64x256xf32>,
    %get3A_787 = arith.constant 1 : index
    %get3A_788 = arith.constant 3 : index
    %get3A_789 = arith.constant 0 : index
    %get3A_790 = arith.constant 0 : index
    %get3A_791 = vector.load %arg2[%get3A_787, %get3A_788, %get3A_789, %get3A_790] : memref<16x4x64x256xf32, #tpu.memory_space<vmem>>, vector<1x1x64x256xf32>
    %get3A_792 = vector.shape_cast %get3A_791 : vector<1x1x64x256xf32> to vector<64x256xf32>
    %dot_general3A_793 = arith.constant dense<0.000000e+00> : vector<64x256xf32>
    %dot_general3A_794 = tpu.matmul %get3A_792, %get3A_1, %dot_general3A_793 {dimension_numbers = #tpu.dot_dimension_numbers<[1], [0], [0], [1], [0, 0, 1, 1], [], []>, transpose_lhs_hint = false} : vector<64x256xf32>, vector<256x256xf32>, vector<64x256xf32> -> vector<64x256xf32>
    %swap3A_795 = arith.index_cast %rem3A_2 : i32 to index
    %swap3A_796 = arith.constant 3 : index
    %swap3A_797 = arith.constant 1 : index
    %swap3A_798 = arith.constant 0 : index
    %swap3A_799 = arith.constant 0 : index
    %swap3A_800 = vector.load %arg4[%swap3A_795, %swap3A_796, %swap3A_797, %swap3A_798, %swap3A_799] : memref<3x4x16x64x256xf32, #tpu.memory_space<vmem>>, vector<1x1x1x64x256xf32>
    %swap3A_801 = vector.shape_cast %swap3A_800 : vector<1x1x1x64x256xf32> to vector<64x256xf32>
    %swap3A_802 = vector.shape_cast %dot_general3A_794 : vector<64x256xf32> to vector<1x1x1x64x256xf32>
    tpu.vector_store %arg4[%swap3A_795, %swap3A_796, %swap3A_797, %swap3A_798, %swap3A_799], %swap3A_802 {strides = array<i32>} : memref<3x4x16x64x256xf32, #tpu.memory_space<vmem>>, vector<1x1x1x64x256xf32>,
    %get3A_803 = arith.constant 2 : index
    %get3A_804 = arith.constant 3 : index
    %get3A_805 = arith.constant 0 : index
    %get3A_806 = arith.constant 0 : index
    %get3A_807 = vector.load %arg2[%get3A_803, %get3A_804, %get3A_805, %get3A_806] : memref<16x4x64x256xf32, #tpu.memory_space<vmem>>, vector<1x1x64x256xf32>
    %get3A_808 = vector.shape_cast %get3A_807 : vector<1x1x64x256xf32> to vector<64x256xf32>
    %dot_general3A_809 = arith.constant dense<0.000000e+00> : vector<64x256xf32>
    %dot_general3A_810 = tpu.matmul %get3A_808, %get3A_1, %dot_general3A_809 {dimension_numbers = #tpu.dot_dimension_numbers<[1], [0], [0], [1], [0, 0, 1, 1], [], []>, transpose_lhs_hint = false} : vector<64x256xf32>, vector<256x256xf32>, vector<64x256xf32> -> vector<64x256xf32>
    %swap3A_811 = arith.index_cast %rem3A_2 : i32 to index
    %swap3A_812 = arith.constant 3 : index
    %swap3A_813 = arith.constant 2 : index
    %swap3A_814 = arith.constant 0 : index
    %swap3A_815 = arith.constant 0 : index
    %swap3A_816 = vector.load %arg4[%swap3A_811, %swap3A_812, %swap3A_813, %swap3A_814, %swap3A_815] : memref<3x4x16x64x256xf32, #tpu.memory_space<vmem>>, vector<1x1x1x64x256xf32>
    %swap3A_817 = vector.shape_cast %swap3A_816 : vector<1x1x1x64x256xf32> to vector<64x256xf32>
    %swap3A_818 = vector.shape_cast %dot_general3A_810 : vector<64x256xf32> to vector<1x1x1x64x256xf32>
    tpu.vector_store %arg4[%swap3A_811, %swap3A_812, %swap3A_813, %swap3A_814, %swap3A_815], %swap3A_818 {strides = array<i32>} : memref<3x4x16x64x256xf32, #tpu.memory_space<vmem>>, vector<1x1x1x64x256xf32>,
    %get3A_819 = arith.constant 3 : index
    %get3A_820 = arith.constant 3 : index
    %get3A_821 = arith.constant 0 : index
    %get3A_822 = arith.constant 0 : index
    %get3A_823 = vector.load %arg2[%get3A_819, %get3A_820, %get3A_821, %get3A_822] : memref<16x4x64x256xf32, #tpu.memory_space<vmem>>, vector<1x1x64x256xf32>
    %get3A_824 = vector.shape_cast %get3A_823 : vector<1x1x64x256xf32> to vector<64x256xf32>
    %dot_general3A_825 = arith.constant dense<0.000000e+00> : vector<64x256xf32>
    %dot_general3A_826 = tpu.matmul %get3A_824, %get3A_1, %dot_general3A_825 {dimension_numbers = #tpu.dot_dimension_numbers<[1], [0], [0], [1], [0, 0, 1, 1], [], []>, transpose_lhs_hint = false} : vector<64x256xf32>, vector<256x256xf32>, vector<64x256xf32> -> vector<64x256xf32>
    %swap3A_827 = arith.index_cast %rem3A_2 : i32 to index
    %swap3A_828 = arith.constant 3 : index
    %swap3A_829 = arith.constant 3 : index
    %swap3A_830 = arith.constant 0 : index
    %swap3A_831 = arith.constant 0 : index
    %swap3A_832 = vector.load %arg4[%swap3A_827, %swap3A_828, %swap3A_829, %swap3A_830, %swap3A_831] : memref<3x4x16x64x256xf32, #tpu.memory_space<vmem>>, vector<1x1x1x64x256xf32>
    %swap3A_833 = vector.shape_cast %swap3A_832 : vector<1x1x1x64x256xf32> to vector<64x256xf32>
    %swap3A_834 = vector.shape_cast %dot_general3A_826 : vector<64x256xf32> to vector<1x1x1x64x256xf32>
    tpu.vector_store %arg4[%swap3A_827, %swap3A_828, %swap3A_829, %swap3A_830, %swap3A_831], %swap3A_834 {strides = array<i32>} : memref<3x4x16x64x256xf32, #tpu.memory_space<vmem>>, vector<1x1x1x64x256xf32>,
    %get3A_835 = arith.constant 4 : index
    %get3A_836 = arith.constant 3 : index
    %get3A_837 = arith.constant 0 : index
    %get3A_838 = arith.constant 0 : index
    %get3A_839 = vector.load %arg2[%get3A_835, %get3A_836, %get3A_837, %get3A_838] : memref<16x4x64x256xf32, #tpu.memory_space<vmem>>, vector<1x1x64x256xf32>
    %get3A_840 = vector.shape_cast %get3A_839 : vector<1x1x64x256xf32> to vector<64x256xf32>
    %dot_general3A_841 = arith.constant dense<0.000000e+00> : vector<64x256xf32>
    %dot_general3A_842 = tpu.matmul %get3A_840, %get3A_1, %dot_general3A_841 {dimension_numbers = #tpu.dot_dimension_numbers<[1], [0], [0], [1], [0, 0, 1, 1], [], []>, transpose_lhs_hint = false} : vector<64x256xf32>, vector<256x256xf32>, vector<64x256xf32> -> vector<64x256xf32>
    %swap3A_843 = arith.index_cast %rem3A_2 : i32 to index
    %swap3A_844 = arith.constant 3 : index
    %swap3A_845 = arith.constant 4 : index
    %swap3A_846 = arith.constant 0 : index
    %swap3A_847 = arith.constant 0 : index
    %swap3A_848 = vector.load %arg4[%swap3A_843, %swap3A_844, %swap3A_845, %swap3A_846, %swap3A_847] : memref<3x4x16x64x256xf32, #tpu.memory_space<vmem>>, vector<1x1x1x64x256xf32>
    %swap3A_849 = vector.shape_cast %swap3A_848 : vector<1x1x1x64x256xf32> to vector<64x256xf32>
    %swap3A_850 = vector.shape_cast %dot_general3A_842 : vector<64x256xf32> to vector<1x1x1x64x256xf32>
    tpu.vector_store %arg4[%swap3A_843, %swap3A_844, %swap3A_845, %swap3A_846, %swap3A_847], %swap3A_850 {strides = array<i32>} : memref<3x4x16x64x256xf32, #tpu.memory_space<vmem>>, vector<1x1x1x64x256xf32>,
    %get3A_851 = arith.constant 5 : index
    %get3A_852 = arith.constant 3 : index
    %get3A_853 = arith.constant 0 : index
    %get3A_854 = arith.constant 0 : index
    %get3A_855 = vector.load %arg2[%get3A_851, %get3A_852, %get3A_853, %get3A_854] : memref<16x4x64x256xf32, #tpu.memory_space<vmem>>, vector<1x1x64x256xf32>
    %get3A_856 = vector.shape_cast %get3A_855 : vector<1x1x64x256xf32> to vector<64x256xf32>
    %dot_general3A_857 = arith.constant dense<0.000000e+00> : vector<64x256xf32>
    %dot_general3A_858 = tpu.matmul %get3A_856, %get3A_1, %dot_general3A_857 {dimension_numbers = #tpu.dot_dimension_numbers<[1], [0], [0], [1], [0, 0, 1, 1], [], []>, transpose_lhs_hint = false} : vector<64x256xf32>, vector<256x256xf32>, vector<64x256xf32> -> vector<64x256xf32>
    %swap3A_859 = arith.index_cast %rem3A_2 : i32 to index
    %swap3A_860 = arith.constant 3 : index
    %swap3A_861 = arith.constant 5 : index
    %swap3A_862 = arith.constant 0 : index
    %swap3A_863 = arith.constant 0 : index
    %swap3A_864 = vector.load %arg4[%swap3A_859, %swap3A_860, %swap3A_861, %swap3A_862, %swap3A_863] : memref<3x4x16x64x256xf32, #tpu.memory_space<vmem>>, vector<1x1x1x64x256xf32>
    %swap3A_865 = vector.shape_cast %swap3A_864 : vector<1x1x1x64x256xf32> to vector<64x256xf32>
    %swap3A_866 = vector.shape_cast %dot_general3A_858 : vector<64x256xf32> to vector<1x1x1x64x256xf32>
    tpu.vector_store %arg4[%swap3A_859, %swap3A_860, %swap3A_861, %swap3A_862, %swap3A_863], %swap3A_866 {strides = array<i32>} : memref<3x4x16x64x256xf32, #tpu.memory_space<vmem>>, vector<1x1x1x64x256xf32>,
    %get3A_867 = arith.constant 6 : index
    %get3A_868 = arith.constant 3 : index
    %get3A_869 = arith.constant 0 : index
    %get3A_870 = arith.constant 0 : index
    %get3A_871 = vector.load %arg2[%get3A_867, %get3A_868, %get3A_869, %get3A_870] : memref<16x4x64x256xf32, #tpu.memory_space<vmem>>, vector<1x1x64x256xf32>
    %get3A_872 = vector.shape_cast %get3A_871 : vector<1x1x64x256xf32> to vector<64x256xf32>
    %dot_general3A_873 = arith.constant dense<0.000000e+00> : vector<64x256xf32>
    %dot_general3A_874 = tpu.matmul %get3A_872, %get3A_1, %dot_general3A_873 {dimension_numbers = #tpu.dot_dimension_numbers<[1], [0], [0], [1], [0, 0, 1, 1], [], []>, transpose_lhs_hint = false} : vector<64x256xf32>, vector<256x256xf32>, vector<64x256xf32> -> vector<64x256xf32>
    %swap3A_875 = arith.index_cast %rem3A_2 : i32 to index
    %swap3A_876 = arith.constant 3 : index
    %swap3A_877 = arith.constant 6 : index
    %swap3A_878 = arith.constant 0 : index
    %swap3A_879 = arith.constant 0 : index
    %swap3A_880 = vector.load %arg4[%swap3A_875, %swap3A_876, %swap3A_877, %swap3A_878, %swap3A_879] : memref<3x4x16x64x256xf32, #tpu.memory_space<vmem>>, vector<1x1x1x64x256xf32>
    %swap3A_881 = vector.shape_cast %swap3A_880 : vector<1x1x1x64x256xf32> to vector<64x256xf32>
    %swap3A_882 = vector.shape_cast %dot_general3A_874 : vector<64x256xf32> to vector<1x1x1x64x256xf32>
    tpu.vector_store %arg4[%swap3A_875, %swap3A_876, %swap3A_877, %swap3A_878, %swap3A_879], %swap3A_882 {strides = array<i32>} : memref<3x4x16x64x256xf32, #tpu.memory_space<vmem>>, vector<1x1x1x64x256xf32>,
    %get3A_883 = arith.constant 7 : index
    %get3A_884 = arith.constant 3 : index
    %get3A_885 = arith.constant 0 : index
    %get3A_886 = arith.constant 0 : index
    %get3A_887 = vector.load %arg2[%get3A_883, %get3A_884, %get3A_885, %get3A_886] : memref<16x4x64x256xf32, #tpu.memory_space<vmem>>, vector<1x1x64x256xf32>
    %get3A_888 = vector.shape_cast %get3A_887 : vector<1x1x64x256xf32> to vector<64x256xf32>
    %dot_general3A_889 = arith.constant dense<0.000000e+00> : vector<64x256xf32>
    %dot_general3A_890 = tpu.matmul %get3A_888, %get3A_1, %dot_general3A_889 {dimension_numbers = #tpu.dot_dimension_numbers<[1], [0], [0], [1], [0, 0, 1, 1], [], []>, transpose_lhs_hint = false} : vector<64x256xf32>, vector<256x256xf32>, vector<64x256xf32> -> vector<64x256xf32>
    %swap3A_891 = arith.index_cast %rem3A_2 : i32 to index
    %swap3A_892 = arith.constant 3 : index
    %swap3A_893 = arith.constant 7 : index
    %swap3A_894 = arith.constant 0 : index
    %swap3A_895 = arith.constant 0 : index
    %swap3A_896 = vector.load %arg4[%swap3A_891, %swap3A_892, %swap3A_893, %swap3A_894, %swap3A_895] : memref<3x4x16x64x256xf32, #tpu.memory_space<vmem>>, vector<1x1x1x64x256xf32>
    %swap3A_897 = vector.shape_cast %swap3A_896 : vector<1x1x1x64x256xf32> to vector<64x256xf32>
    %swap3A_898 = vector.shape_cast %dot_general3A_890 : vector<64x256xf32> to vector<1x1x1x64x256xf32>
    tpu.vector_store %arg4[%swap3A_891, %swap3A_892, %swap3A_893, %swap3A_894, %swap3A_895], %swap3A_898 {strides = array<i32>} : memref<3x4x16x64x256xf32, #tpu.memory_space<vmem>>, vector<1x1x1x64x256xf32>,
    %get3A_899 = arith.constant 8 : index
    %get3A_900 = arith.constant 3 : index
    %get3A_901 = arith.constant 0 : index
    %get3A_902 = arith.constant 0 : index
    %get3A_903 = vector.load %arg2[%get3A_899, %get3A_900, %get3A_901, %get3A_902] : memref<16x4x64x256xf32, #tpu.memory_space<vmem>>, vector<1x1x64x256xf32>
    %get3A_904 = vector.shape_cast %get3A_903 : vector<1x1x64x256xf32> to vector<64x256xf32>
    %dot_general3A_905 = arith.constant dense<0.000000e+00> : vector<64x256xf32>
    %dot_general3A_906 = tpu.matmul %get3A_904, %get3A_1, %dot_general3A_905 {dimension_numbers = #tpu.dot_dimension_numbers<[1], [0], [0], [1], [0, 0, 1, 1], [], []>, transpose_lhs_hint = false} : vector<64x256xf32>, vector<256x256xf32>, vector<64x256xf32> -> vector<64x256xf32>
    %swap3A_907 = arith.index_cast %rem3A_2 : i32 to index
    %swap3A_908 = arith.constant 3 : index
    %swap3A_909 = arith.constant 8 : index
    %swap3A_910 = arith.constant 0 : index
    %swap3A_911 = arith.constant 0 : index
    %swap3A_912 = vector.load %arg4[%swap3A_907, %swap3A_908, %swap3A_909, %swap3A_910, %swap3A_911] : memref<3x4x16x64x256xf32, #tpu.memory_space<vmem>>, vector<1x1x1x64x256xf32>
    %swap3A_913 = vector.shape_cast %swap3A_912 : vector<1x1x1x64x256xf32> to vector<64x256xf32>
    %swap3A_914 = vector.shape_cast %dot_general3A_906 : vector<64x256xf32> to vector<1x1x1x64x256xf32>
    tpu.vector_store %arg4[%swap3A_907, %swap3A_908, %swap3A_909, %swap3A_910, %swap3A_911], %swap3A_914 {strides = array<i32>} : memref<3x4x16x64x256xf32, #tpu.memory_space<vmem>>, vector<1x1x1x64x256xf32>,
    %get3A_915 = arith.constant 9 : index
    %get3A_916 = arith.constant 3 : index
    %get3A_917 = arith.constant 0 : index
    %get3A_918 = arith.constant 0 : index
    %get3A_919 = vector.load %arg2[%get3A_915, %get3A_916, %get3A_917, %get3A_918] : memref<16x4x64x256xf32, #tpu.memory_space<vmem>>, vector<1x1x64x256xf32>
    %get3A_920 = vector.shape_cast %get3A_919 : vector<1x1x64x256xf32> to vector<64x256xf32>
    %dot_general3A_921 = arith.constant dense<0.000000e+00> : vector<64x256xf32>
    %dot_general3A_922 = tpu.matmul %get3A_920, %get3A_1, %dot_general3A_921 {dimension_numbers = #tpu.dot_dimension_numbers<[1], [0], [0], [1], [0, 0, 1, 1], [], []>, transpose_lhs_hint = false} : vector<64x256xf32>, vector<256x256xf32>, vector<64x256xf32> -> vector<64x256xf32>
    %swap3A_923 = arith.index_cast %rem3A_2 : i32 to index
    %swap3A_924 = arith.constant 3 : index
    %swap3A_925 = arith.constant 9 : index
    %swap3A_926 = arith.constant 0 : index
    %swap3A_927 = arith.constant 0 : index
    %swap3A_928 = vector.load %arg4[%swap3A_923, %swap3A_924, %swap3A_925, %swap3A_926, %swap3A_927] : memref<3x4x16x64x256xf32, #tpu.memory_space<vmem>>, vector<1x1x1x64x256xf32>
    %swap3A_929 = vector.shape_cast %swap3A_928 : vector<1x1x1x64x256xf32> to vector<64x256xf32>
    %swap3A_930 = vector.shape_cast %dot_general3A_922 : vector<64x256xf32> to vector<1x1x1x64x256xf32>
    tpu.vector_store %arg4[%swap3A_923, %swap3A_924, %swap3A_925, %swap3A_926, %swap3A_927], %swap3A_930 {strides = array<i32>} : memref<3x4x16x64x256xf32, #tpu.memory_space<vmem>>, vector<1x1x1x64x256xf32>,
    %get3A_931 = arith.constant 10 : index
    %get3A_932 = arith.constant 3 : index
    %get3A_933 = arith.constant 0 : index
    %get3A_934 = arith.constant 0 : index
    %get3A_935 = vector.load %arg2[%get3A_931, %get3A_932, %get3A_933, %get3A_934] : memref<16x4x64x256xf32, #tpu.memory_space<vmem>>, vector<1x1x64x256xf32>
    %get3A_936 = vector.shape_cast %get3A_935 : vector<1x1x64x256xf32> to vector<64x256xf32>
    %dot_general3A_937 = arith.constant dense<0.000000e+00> : vector<64x256xf32>
    %dot_general3A_938 = tpu.matmul %get3A_936, %get3A_1, %dot_general3A_937 {dimension_numbers = #tpu.dot_dimension_numbers<[1], [0], [0], [1], [0, 0, 1, 1], [], []>, transpose_lhs_hint = false} : vector<64x256xf32>, vector<256x256xf32>, vector<64x256xf32> -> vector<64x256xf32>
    %swap3A_939 = arith.index_cast %rem3A_2 : i32 to index
    %swap3A_940 = arith.constant 3 : index
    %swap3A_941 = arith.constant 10 : index
    %swap3A_942 = arith.constant 0 : index
    %swap3A_943 = arith.constant 0 : index
    %swap3A_944 = vector.load %arg4[%swap3A_939, %swap3A_940, %swap3A_941, %swap3A_942, %swap3A_943] : memref<3x4x16x64x256xf32, #tpu.memory_space<vmem>>, vector<1x1x1x64x256xf32>
    %swap3A_945 = vector.shape_cast %swap3A_944 : vector<1x1x1x64x256xf32> to vector<64x256xf32>
    %swap3A_946 = vector.shape_cast %dot_general3A_938 : vector<64x256xf32> to vector<1x1x1x64x256xf32>
    tpu.vector_store %arg4[%swap3A_939, %swap3A_940, %swap3A_941, %swap3A_942, %swap3A_943], %swap3A_946 {strides = array<i32>} : memref<3x4x16x64x256xf32, #tpu.memory_space<vmem>>, vector<1x1x1x64x256xf32>,
    %get3A_947 = arith.constant 11 : index
    %get3A_948 = arith.constant 3 : index
    %get3A_949 = arith.constant 0 : index
    %get3A_950 = arith.constant 0 : index
    %get3A_951 = vector.load %arg2[%get3A_947, %get3A_948, %get3A_949, %get3A_950] : memref<16x4x64x256xf32, #tpu.memory_space<vmem>>, vector<1x1x64x256xf32>
    %get3A_952 = vector.shape_cast %get3A_951 : vector<1x1x64x256xf32> to vector<64x256xf32>
    %dot_general3A_953 = arith.constant dense<0.000000e+00> : vector<64x256xf32>
    %dot_general3A_954 = tpu.matmul %get3A_952, %get3A_1, %dot_general3A_953 {dimension_numbers = #tpu.dot_dimension_numbers<[1], [0], [0], [1], [0, 0, 1, 1], [], []>, transpose_lhs_hint = false} : vector<64x256xf32>, vector<256x256xf32>, vector<64x256xf32> -> vector<64x256xf32>
    %swap3A_955 = arith.index_cast %rem3A_2 : i32 to index
    %swap3A_956 = arith.constant 3 : index
    %swap3A_957 = arith.constant 11 : index
    %swap3A_958 = arith.constant 0 : index
    %swap3A_959 = arith.constant 0 : index
    %swap3A_960 = vector.load %arg4[%swap3A_955, %swap3A_956, %swap3A_957, %swap3A_958, %swap3A_959] : memref<3x4x16x64x256xf32, #tpu.memory_space<vmem>>, vector<1x1x1x64x256xf32>
    %swap3A_961 = vector.shape_cast %swap3A_960 : vector<1x1x1x64x256xf32> to vector<64x256xf32>
    %swap3A_962 = vector.shape_cast %dot_general3A_954 : vector<64x256xf32> to vector<1x1x1x64x256xf32>
    tpu.vector_store %arg4[%swap3A_955, %swap3A_956, %swap3A_957, %swap3A_958, %swap3A_959], %swap3A_962 {strides = array<i32>} : memref<3x4x16x64x256xf32, #tpu.memory_space<vmem>>, vector<1x1x1x64x256xf32>,
    %get3A_963 = arith.constant 12 : index
    %get3A_964 = arith.constant 3 : index
    %get3A_965 = arith.constant 0 : index
    %get3A_966 = arith.constant 0 : index
    %get3A_967 = vector.load %arg2[%get3A_963, %get3A_964, %get3A_965, %get3A_966] : memref<16x4x64x256xf32, #tpu.memory_space<vmem>>, vector<1x1x64x256xf32>
    %get3A_968 = vector.shape_cast %get3A_967 : vector<1x1x64x256xf32> to vector<64x256xf32>
    %dot_general3A_969 = arith.constant dense<0.000000e+00> : vector<64x256xf32>
    %dot_general3A_970 = tpu.matmul %get3A_968, %get3A_1, %dot_general3A_969 {dimension_numbers = #tpu.dot_dimension_numbers<[1], [0], [0], [1], [0, 0, 1, 1], [], []>, transpose_lhs_hint = false} : vector<64x256xf32>, vector<256x256xf32>, vector<64x256xf32> -> vector<64x256xf32>
    %swap3A_971 = arith.index_cast %rem3A_2 : i32 to index
    %swap3A_972 = arith.constant 3 : index
    %swap3A_973 = arith.constant 12 : index
    %swap3A_974 = arith.constant 0 : index
    %swap3A_975 = arith.constant 0 : index
    %swap3A_976 = vector.load %arg4[%swap3A_971, %swap3A_972, %swap3A_973, %swap3A_974, %swap3A_975] : memref<3x4x16x64x256xf32, #tpu.memory_space<vmem>>, vector<1x1x1x64x256xf32>
    %swap3A_977 = vector.shape_cast %swap3A_976 : vector<1x1x1x64x256xf32> to vector<64x256xf32>
    %swap3A_978 = vector.shape_cast %dot_general3A_970 : vector<64x256xf32> to vector<1x1x1x64x256xf32>
    tpu.vector_store %arg4[%swap3A_971, %swap3A_972, %swap3A_973, %swap3A_974, %swap3A_975], %swap3A_978 {strides = array<i32>} : memref<3x4x16x64x256xf32, #tpu.memory_space<vmem>>, vector<1x1x1x64x256xf32>,
    %get3A_979 = arith.constant 13 : index
    %get3A_980 = arith.constant 3 : index
    %get3A_981 = arith.constant 0 : index
    %get3A_982 = arith.constant 0 : index
    %get3A_983 = vector.load %arg2[%get3A_979, %get3A_980, %get3A_981, %get3A_982] : memref<16x4x64x256xf32, #tpu.memory_space<vmem>>, vector<1x1x64x256xf32>
    %get3A_984 = vector.shape_cast %get3A_983 : vector<1x1x64x256xf32> to vector<64x256xf32>
    %dot_general3A_985 = arith.constant dense<0.000000e+00> : vector<64x256xf32>
    %dot_general3A_986 = tpu.matmul %get3A_984, %get3A_1, %dot_general3A_985 {dimension_numbers = #tpu.dot_dimension_numbers<[1], [0], [0], [1], [0, 0, 1, 1], [], []>, transpose_lhs_hint = false} : vector<64x256xf32>, vector<256x256xf32>, vector<64x256xf32> -> vector<64x256xf32>
    %swap3A_987 = arith.index_cast %rem3A_2 : i32 to index
    %swap3A_988 = arith.constant 3 : index
    %swap3A_989 = arith.constant 13 : index
    %swap3A_990 = arith.constant 0 : index
    %swap3A_991 = arith.constant 0 : index
    %swap3A_992 = vector.load %arg4[%swap3A_987, %swap3A_988, %swap3A_989, %swap3A_990, %swap3A_991] : memref<3x4x16x64x256xf32, #tpu.memory_space<vmem>>, vector<1x1x1x64x256xf32>
    %swap3A_993 = vector.shape_cast %swap3A_992 : vector<1x1x1x64x256xf32> to vector<64x256xf32>
    %swap3A_994 = vector.shape_cast %dot_general3A_986 : vector<64x256xf32> to vector<1x1x1x64x256xf32>
    tpu.vector_store %arg4[%swap3A_987, %swap3A_988, %swap3A_989, %swap3A_990, %swap3A_991], %swap3A_994 {strides = array<i32>} : memref<3x4x16x64x256xf32, #tpu.memory_space<vmem>>, vector<1x1x1x64x256xf32>,
    %get3A_995 = arith.constant 14 : index
    %get3A_996 = arith.constant 3 : index
    %get3A_997 = arith.constant 0 : index
    %get3A_998 = arith.constant 0 : index
    %get3A_999 = vector.load %arg2[%get3A_995, %get3A_996, %get3A_997, %get3A_998] : memref<16x4x64x256xf32, #tpu.memory_space<vmem>>, vector<1x1x64x256xf32>
    %get3A_1000 = vector.shape_cast %get3A_999 : vector<1x1x64x256xf32> to vector<64x256xf32>
    %dot_general3A_1001 = arith.constant dense<0.000000e+00> : vector<64x256xf32>
    %dot_general3A_1002 = tpu.matmul %get3A_1000, %get3A_1, %dot_general3A_1001 {dimension_numbers = #tpu.dot_dimension_numbers<[1], [0], [0], [1], [0, 0, 1, 1], [], []>, transpose_lhs_hint = false} : vector<64x256xf32>, vector<256x256xf32>, vector<64x256xf32> -> vector<64x256xf32>
    %swap3A_1003 = arith.index_cast %rem3A_2 : i32 to index
    %swap3A_1004 = arith.constant 3 : index
    %swap3A_1005 = arith.constant 14 : index
    %swap3A_1006 = arith.constant 0 : index
    %swap3A_1007 = arith.constant 0 : index
    %swap3A_1008 = vector.load %arg4[%swap3A_1003, %swap3A_1004, %swap3A_1005, %swap3A_1006, %swap3A_1007] : memref<3x4x16x64x256xf32, #tpu.memory_space<vmem>>, vector<1x1x1x64x256xf32>
    %swap3A_1009 = vector.shape_cast %swap3A_1008 : vector<1x1x1x64x256xf32> to vector<64x256xf32>
    %swap3A_1010 = vector.shape_cast %dot_general3A_1002 : vector<64x256xf32> to vector<1x1x1x64x256xf32>
    tpu.vector_store %arg4[%swap3A_1003, %swap3A_1004, %swap3A_1005, %swap3A_1006, %swap3A_1007], %swap3A_1010 {strides = array<i32>} : memref<3x4x16x64x256xf32, #tpu.memory_space<vmem>>, vector<1x1x1x64x256xf32>,
    %get3A_1011 = arith.constant 15 : index
    %get3A_1012 = arith.constant 3 : index
    %get3A_1013 = arith.constant 0 : index
    %get3A_1014 = arith.constant 0 : index
    %get3A_1015 = vector.load %arg2[%get3A_1011, %get3A_1012, %get3A_1013, %get3A_1014] : memref<16x4x64x256xf32, #tpu.memory_space<vmem>>, vector<1x1x64x256xf32>
    %get3A_1016 = vector.shape_cast %get3A_1015 : vector<1x1x64x256xf32> to vector<64x256xf32>
    %dot_general3A_1017 = arith.constant dense<0.000000e+00> : vector<64x256xf32>
    %dot_general3A_1018 = tpu.matmul %get3A_1016, %get3A_1, %dot_general3A_1017 {dimension_numbers = #tpu.dot_dimension_numbers<[1], [0], [0], [1], [0, 0, 1, 1], [], []>, transpose_lhs_hint = false} : vector<64x256xf32>, vector<256x256xf32>, vector<64x256xf32> -> vector<64x256xf32>
    %swap3A_1019 = arith.index_cast %rem3A_2 : i32 to index
    %swap3A_1020 = arith.constant 3 : index
    %swap3A_1021 = arith.constant 15 : index
    %swap3A_1022 = arith.constant 0 : index
    %swap3A_1023 = arith.constant 0 : index
    %swap3A_1024 = vector.load %arg4[%swap3A_1019, %swap3A_1020, %swap3A_1021, %swap3A_1022, %swap3A_1023] : memref<3x4x16x64x256xf32, #tpu.memory_space<vmem>>, vector<1x1x1x64x256xf32>
    %swap3A_1025 = vector.shape_cast %swap3A_1024 : vector<1x1x1x64x256xf32> to vector<64x256xf32>
    %swap3A_1026 = vector.shape_cast %dot_general3A_1018 : vector<64x256xf32> to vector<1x1x1x64x256xf32>
    tpu.vector_store %arg4[%swap3A_1019, %swap3A_1020, %swap3A_1021, %swap3A_1022, %swap3A_1023], %swap3A_1026 {strides = array<i32>} : memref<3x4x16x64x256xf32, #tpu.memory_space<vmem>>, vector<1x1x1x64x256xf32>,
    %mul3A = arith.constant 4 : i32
    %mul3A_1027 = arith.muli %arg0, %mul3A : i32
    %add3A = arith.constant 0 : i32
    %add3A_1028 = arith.addi %mul3A_1027, %add3A : i32
    %dma_start3A = arith.constant 0 : i32
    %dma_start3A_1029 = tpu.memref_slice %arg5[%rem3A_2] : memref<3x!tpu.dma_semaphore, #tpu.memory_space<semaphore_mem>> -> memref<1x!tpu.dma_semaphore, #tpu.memory_space<semaphore_mem>>
    %dma_start3A_1030 = tpu.memref_squeeze %dma_start3A_1029 : memref<1x!tpu.dma_semaphore, #tpu.memory_space<semaphore_mem>> -> memref<!tpu.dma_semaphore, #tpu.memory_space<semaphore_mem>>
    %dma_start3A_1031 = arith.constant 0 : i32
    %dma_start3A_1032 = arith.constant 0 : i32
    %dma_start3A_1033 = arith.constant 0 : i32
    %dma_start3A_1034 = tpu.memref_slice %arg3[%add3A_1028, %dma_start3A_1031, %dma_start3A_1032, %dma_start3A_1033] : memref<64x16x64x256xf32, #tpu.memory_space<hbm>> -> memref<1x16x64x256xf32, #tpu.memory_space<hbm>>
    %dma_start3A_1035 = tpu.memref_squeeze %dma_start3A_1034 : memref<1x16x64x256xf32, #tpu.memory_space<hbm>> -> memref<16x64x256xf32, #tpu.memory_space<hbm>>
    %dma_start3A_1036 = arith.constant 0 : i32
    %dma_start3A_1037 = arith.constant 0 : i32
    %dma_start3A_1038 = arith.constant 0 : i32
    %dma_start3A_1039 = tpu.memref_slice %arg4[%rem3A_2, %dma_start3A, %dma_start3A_1036, %dma_start3A_1037, %dma_start3A_1038] : memref<3x4x16x64x256xf32, #tpu.memory_space<vmem>> -> memref<1x1x16x64x256xf32, #tpu.memory_space<vmem>>
    %dma_start3A_1040 = tpu.memref_squeeze %dma_start3A_1039 : memref<1x1x16x64x256xf32, #tpu.memory_space<vmem>> -> memref<16x64x256xf32, #tpu.memory_space<vmem>>
    tpu.enqueue_dma source(%dma_start3A_1040 : memref<16x64x256xf32, #tpu.memory_space<vmem>>) target(%dma_start3A_1035 : memref<16x64x256xf32, #tpu.memory_space<hbm>>) target_semaphore(%dma_start3A_1030 : memref<!tpu.dma_semaphore, #tpu.memory_space<semaphore_mem>>)
    %mul3A_1041 = arith.constant 4 : i32
    %mul3A_1042 = arith.muli %arg0, %mul3A_1041 : i32
    %add3A_1043 = arith.constant 1 : i32
    %add3A_1044 = arith.addi %mul3A_1042, %add3A_1043 : i32
    %dma_start3A_1045 = arith.constant 1 : i32
    %dma_start3A_1046 = tpu.memref_slice %arg5[%rem3A_2] : memref<3x!tpu.dma_semaphore, #tpu.memory_space<semaphore_mem>> -> memref<1x!tpu.dma_semaphore, #tpu.memory_space<semaphore_mem>>
    %dma_start3A_1047 = tpu.memref_squeeze %dma_start3A_1046 : memref<1x!tpu.dma_semaphore, #tpu.memory_space<semaphore_mem>> -> memref<!tpu.dma_semaphore, #tpu.memory_space<semaphore_mem>>
    %dma_start3A_1048 = arith.constant 0 : i32
    %dma_start3A_1049 = arith.constant 0 : i32
    %dma_start3A_1050 = arith.constant 0 : i32
    %dma_start3A_1051 = tpu.memref_slice %arg3[%add3A_1044, %dma_start3A_1048, %dma_start3A_1049, %dma_start3A_1050] : memref<64x16x64x256xf32, #tpu.memory_space<hbm>> -> memref<1x16x64x256xf32, #tpu.memory_space<hbm>>
    %dma_start3A_1052 = tpu.memref_squeeze %dma_start3A_1051 : memref<1x16x64x256xf32, #tpu.memory_space<hbm>> -> memref<16x64x256xf32, #tpu.memory_space<hbm>>
    %dma_start3A_1053 = arith.constant 0 : i32
    %dma_start3A_1054 = arith.constant 0 : i32
    %dma_start3A_1055 = arith.constant 0 : i32
    %dma_start3A_1056 = tpu.memref_slice %arg4[%rem3A_2, %dma_start3A_1045, %dma_start3A_1053, %dma_start3A_1054, %dma_start3A_1055] : memref<3x4x16x64x256xf32, #tpu.memory_space<vmem>> -> memref<1x1x16x64x256xf32, #tpu.memory_space<vmem>>
    %dma_start3A_1057 = tpu.memref_squeeze %dma_start3A_1056 : memref<1x1x16x64x256xf32, #tpu.memory_space<vmem>> -> memref<16x64x256xf32, #tpu.memory_space<vmem>>
    tpu.enqueue_dma source(%dma_start3A_1057 : memref<16x64x256xf32, #tpu.memory_space<vmem>>) target(%dma_start3A_1052 : memref<16x64x256xf32, #tpu.memory_space<hbm>>) target_semaphore(%dma_start3A_1047 : memref<!tpu.dma_semaphore, #tpu.memory_space<semaphore_mem>>)
    %mul3A_1058 = arith.constant 4 : i32
    %mul3A_1059 = arith.muli %arg0, %mul3A_1058 : i32
    %add3A_1060 = arith.constant 2 : i32
    %add3A_1061 = arith.addi %mul3A_1059, %add3A_1060 : i32
    %dma_start3A_1062 = arith.constant 2 : i32
    %dma_start3A_1063 = tpu.memref_slice %arg5[%rem3A_2] : memref<3x!tpu.dma_semaphore, #tpu.memory_space<semaphore_mem>> -> memref<1x!tpu.dma_semaphore, #tpu.memory_space<semaphore_mem>>
    %dma_start3A_1064 = tpu.memref_squeeze %dma_start3A_1063 : memref<1x!tpu.dma_semaphore, #tpu.memory_space<semaphore_mem>> -> memref<!tpu.dma_semaphore, #tpu.memory_space<semaphore_mem>>
    %dma_start3A_1065 = arith.constant 0 : i32
    %dma_start3A_1066 = arith.constant 0 : i32
    %dma_start3A_1067 = arith.constant 0 : i32
    %dma_start3A_1068 = tpu.memref_slice %arg3[%add3A_1061, %dma_start3A_1065, %dma_start3A_1066, %dma_start3A_1067] : memref<64x16x64x256xf32, #tpu.memory_space<hbm>> -> memref<1x16x64x256xf32, #tpu.memory_space<hbm>>
    %dma_start3A_1069 = tpu.memref_squeeze %dma_start3A_1068 : memref<1x16x64x256xf32, #tpu.memory_space<hbm>> -> memref<16x64x256xf32, #tpu.memory_space<hbm>>
    %dma_start3A_1070 = arith.constant 0 : i32
    %dma_start3A_1071 = arith.constant 0 : i32
    %dma_start3A_1072 = arith.constant 0 : i32
    %dma_start3A_1073 = tpu.memref_slice %arg4[%rem3A_2, %dma_start3A_1062, %dma_start3A_1070, %dma_start3A_1071, %dma_start3A_1072] : memref<3x4x16x64x256xf32, #tpu.memory_space<vmem>> -> memref<1x1x16x64x256xf32, #tpu.memory_space<vmem>>
    %dma_start3A_1074 = tpu.memref_squeeze %dma_start3A_1073 : memref<1x1x16x64x256xf32, #tpu.memory_space<vmem>> -> memref<16x64x256xf32, #tpu.memory_space<vmem>>
    tpu.enqueue_dma source(%dma_start3A_1074 : memref<16x64x256xf32, #tpu.memory_space<vmem>>) target(%dma_start3A_1069 : memref<16x64x256xf32, #tpu.memory_space<hbm>>) target_semaphore(%dma_start3A_1064 : memref<!tpu.dma_semaphore, #tpu.memory_space<semaphore_mem>>)
    %mul3A_1075 = arith.constant 4 : i32
    %mul3A_1076 = arith.muli %arg0, %mul3A_1075 : i32
    %add3A_1077 = arith.constant 3 : i32
    %add3A_1078 = arith.addi %mul3A_1076, %add3A_1077 : i32
    %dma_start3A_1079 = arith.constant 3 : i32
    %dma_start3A_1080 = tpu.memref_slice %arg5[%rem3A_2] : memref<3x!tpu.dma_semaphore, #tpu.memory_space<semaphore_mem>> -> memref<1x!tpu.dma_semaphore, #tpu.memory_space<semaphore_mem>>
    %dma_start3A_1081 = tpu.memref_squeeze %dma_start3A_1080 : memref<1x!tpu.dma_semaphore, #tpu.memory_space<semaphore_mem>> -> memref<!tpu.dma_semaphore, #tpu.memory_space<semaphore_mem>>
    %dma_start3A_1082 = arith.constant 0 : i32
    %dma_start3A_1083 = arith.constant 0 : i32
    %dma_start3A_1084 = arith.constant 0 : i32
    %dma_start3A_1085 = tpu.memref_slice %arg3[%add3A_1078, %dma_start3A_1082, %dma_start3A_1083, %dma_start3A_1084] : memref<64x16x64x256xf32, #tpu.memory_space<hbm>> -> memref<1x16x64x256xf32, #tpu.memory_space<hbm>>
    %dma_start3A_1086 = tpu.memref_squeeze %dma_start3A_1085 : memref<1x16x64x256xf32, #tpu.memory_space<hbm>> -> memref<16x64x256xf32, #tpu.memory_space<hbm>>
    %dma_start3A_1087 = arith.constant 0 : i32
    %dma_start3A_1088 = arith.constant 0 : i32
    %dma_start3A_1089 = arith.constant 0 : i32
    %dma_start3A_1090 = tpu.memref_slice %arg4[%rem3A_2, %dma_start3A_1079, %dma_start3A_1087, %dma_start3A_1088, %dma_start3A_1089] : memref<3x4x16x64x256xf32, #tpu.memory_space<vmem>> -> memref<1x1x16x64x256xf32, #tpu.memory_space<vmem>>
    %dma_start3A_1091 = tpu.memref_squeeze %dma_start3A_1090 : memref<1x1x16x64x256xf32, #tpu.memory_space<vmem>> -> memref<16x64x256xf32, #tpu.memory_space<vmem>>
    tpu.enqueue_dma source(%dma_start3A_1091 : memref<16x64x256xf32, #tpu.memory_space<vmem>>) target(%dma_start3A_1086 : memref<16x64x256xf32, #tpu.memory_space<hbm>>) target_semaphore(%dma_start3A_1081 : memref<!tpu.dma_semaphore, #tpu.memory_space<semaphore_mem>>)
    %eq3A = arith.constant 15 : i32
    %eq3A_1092 = arith.cmpi eq, %arg0, %eq3A : i32
    %convert_element_type3A_1093 = arith.extui %eq3A_1092 : i1 to i32
    %cond3A_1094 = arith.constant 0 : i32
    %cond3A_1095 = arith.cmpi ne, %convert_element_type3A_1093, %cond3A_1094 : i32
    scf.if %cond3A_1095 {
      %dma_wait3A = arith.constant 1 : i32
      %dma_wait3A_1096 = arith.constant 0 : i32
      %dma_wait3A_1097 = arith.constant 52 : i32
      %dma_wait3A_1098 = arith.constant 1 : i32
      %dma_wait3A_1099 = tpu.memref_slice %arg5[%dma_wait3A_1098] : memref<3x!tpu.dma_semaphore, #tpu.memory_space<semaphore_mem>> -> memref<1x!tpu.dma_semaphore, #tpu.memory_space<semaphore_mem>>
      %dma_wait3A_1100 = tpu.memref_squeeze %dma_wait3A_1099 : memref<1x!tpu.dma_semaphore, #tpu.memory_space<semaphore_mem>> -> memref<!tpu.dma_semaphore, #tpu.memory_space<semaphore_mem>>
      %dma_wait3A_1101 = arith.constant 0 : i32
      %dma_wait3A_1102 = arith.constant 0 : i32
      %dma_wait3A_1103 = arith.constant 0 : i32
      %dma_wait3A_1104 = tpu.memref_slice %arg3[%dma_wait3A_1097, %dma_wait3A_1101, %dma_wait3A_1102, %dma_wait3A_1103] : memref<64x16x64x256xf32, #tpu.memory_space<hbm>> -> memref<1x16x64x256xf32, #tpu.memory_space<hbm>>
      %dma_wait3A_1105 = tpu.memref_squeeze %dma_wait3A_1104 : memref<1x16x64x256xf32, #tpu.memory_space<hbm>> -> memref<16x64x256xf32, #tpu.memory_space<hbm>>
      %dma_wait3A_1106 = arith.constant 0 : i32
      %dma_wait3A_1107 = arith.constant 0 : i32
      %dma_wait3A_1108 = arith.constant 0 : i32
      %dma_wait3A_1109 = tpu.memref_slice %arg4[%dma_wait3A, %dma_wait3A_1096, %dma_wait3A_1106, %dma_wait3A_1107, %dma_wait3A_1108] : memref<3x4x16x64x256xf32, #tpu.memory_space<vmem>> -> memref<1x1x16x64x256xf32, #tpu.memory_space<vmem>>
      %dma_wait3A_1110 = tpu.memref_squeeze %dma_wait3A_1109 : memref<1x1x16x64x256xf32, #tpu.memory_space<vmem>> -> memref<16x64x256xf32, #tpu.memory_space<vmem>>
      tpu.wait_dma2 semaphore(%dma_wait3A_1100 : memref<!tpu.dma_semaphore, #tpu.memory_space<semaphore_mem>>) src(%dma_wait3A_1110 : memref<16x64x256xf32, #tpu.memory_space<vmem>>) dst(%dma_wait3A_1105 : memref<16x64x256xf32, #tpu.memory_space<hbm>>)
      %dma_wait3A_1111 = arith.constant 1 : i32
      %dma_wait3A_1112 = arith.constant 1 : i32
      %dma_wait3A_1113 = arith.constant 53 : i32
      %dma_wait3A_1114 = arith.constant 1 : i32
      %dma_wait3A_1115 = tpu.memref_slice %arg5[%dma_wait3A_1114] : memref<3x!tpu.dma_semaphore, #tpu.memory_space<semaphore_mem>> -> memref<1x!tpu.dma_semaphore, #tpu.memory_space<semaphore_mem>>
      %dma_wait3A_1116 = tpu.memref_squeeze %dma_wait3A_1115 : memref<1x!tpu.dma_semaphore, #tpu.memory_space<semaphore_mem>> -> memref<!tpu.dma_semaphore, #tpu.memory_space<semaphore_mem>>
      %dma_wait3A_1117 = arith.constant 0 : i32
      %dma_wait3A_1118 = arith.constant 0 : i32
      %dma_wait3A_1119 = arith.constant 0 : i32
      %dma_wait3A_1120 = tpu.memref_slice %arg3[%dma_wait3A_1113, %dma_wait3A_1117, %dma_wait3A_1118, %dma_wait3A_1119] : memref<64x16x64x256xf32, #tpu.memory_space<hbm>> -> memref<1x16x64x256xf32, #tpu.memory_space<hbm>>
      %dma_wait3A_1121 = tpu.memref_squeeze %dma_wait3A_1120 : memref<1x16x64x256xf32, #tpu.memory_space<hbm>> -> memref<16x64x256xf32, #tpu.memory_space<hbm>>
      %dma_wait3A_1122 = arith.constant 0 : i32
      %dma_wait3A_1123 = arith.constant 0 : i32
      %dma_wait3A_1124 = arith.constant 0 : i32
      %dma_wait3A_1125 = tpu.memref_slice %arg4[%dma_wait3A_1111, %dma_wait3A_1112, %dma_wait3A_1122, %dma_wait3A_1123, %dma_wait3A_1124] : memref<3x4x16x64x256xf32, #tpu.memory_space<vmem>> -> memref<1x1x16x64x256xf32, #tpu.memory_space<vmem>>
      %dma_wait3A_1126 = tpu.memref_squeeze %dma_wait3A_1125 : memref<1x1x16x64x256xf32, #tpu.memory_space<vmem>> -> memref<16x64x256xf32, #tpu.memory_space<vmem>>
      tpu.wait_dma2 semaphore(%dma_wait3A_1116 : memref<!tpu.dma_semaphore, #tpu.memory_space<semaphore_mem>>) src(%dma_wait3A_1126 : memref<16x64x256xf32, #tpu.memory_space<vmem>>) dst(%dma_wait3A_1121 : memref<16x64x256xf32, #tpu.memory_space<hbm>>)
      %dma_wait3A_1127 = arith.constant 1 : i32
      %dma_wait3A_1128 = arith.constant 2 : i32
      %dma_wait3A_1129 = arith.constant 54 : i32
      %dma_wait3A_1130 = arith.constant 1 : i32
      %dma_wait3A_1131 = tpu.memref_slice %arg5[%dma_wait3A_1130] : memref<3x!tpu.dma_semaphore, #tpu.memory_space<semaphore_mem>> -> memref<1x!tpu.dma_semaphore, #tpu.memory_space<semaphore_mem>>
      %dma_wait3A_1132 = tpu.memref_squeeze %dma_wait3A_1131 : memref<1x!tpu.dma_semaphore, #tpu.memory_space<semaphore_mem>> -> memref<!tpu.dma_semaphore, #tpu.memory_space<semaphore_mem>>
      %dma_wait3A_1133 = arith.constant 0 : i32
      %dma_wait3A_1134 = arith.constant 0 : i32
      %dma_wait3A_1135 = arith.constant 0 : i32
      %dma_wait3A_1136 = tpu.memref_slice %arg3[%dma_wait3A_1129, %dma_wait3A_1133, %dma_wait3A_1134, %dma_wait3A_1135] : memref<64x16x64x256xf32, #tpu.memory_space<hbm>> -> memref<1x16x64x256xf32, #tpu.memory_space<hbm>>
      %dma_wait3A_1137 = tpu.memref_squeeze %dma_wait3A_1136 : memref<1x16x64x256xf32, #tpu.memory_space<hbm>> -> memref<16x64x256xf32, #tpu.memory_space<hbm>>
      %dma_wait3A_1138 = arith.constant 0 : i32
      %dma_wait3A_1139 = arith.constant 0 : i32
      %dma_wait3A_1140 = arith.constant 0 : i32
      %dma_wait3A_1141 = tpu.memref_slice %arg4[%dma_wait3A_1127, %dma_wait3A_1128, %dma_wait3A_1138, %dma_wait3A_1139, %dma_wait3A_1140] : memref<3x4x16x64x256xf32, #tpu.memory_space<vmem>> -> memref<1x1x16x64x256xf32, #tpu.memory_space<vmem>>
      %dma_wait3A_1142 = tpu.memref_squeeze %dma_wait3A_1141 : memref<1x1x16x64x256xf32, #tpu.memory_space<vmem>> -> memref<16x64x256xf32, #tpu.memory_space<vmem>>
      tpu.wait_dma2 semaphore(%dma_wait3A_1132 : memref<!tpu.dma_semaphore, #tpu.memory_space<semaphore_mem>>) src(%dma_wait3A_1142 : memref<16x64x256xf32, #tpu.memory_space<vmem>>) dst(%dma_wait3A_1137 : memref<16x64x256xf32, #tpu.memory_space<hbm>>)
      %dma_wait3A_1143 = arith.constant 1 : i32
      %dma_wait3A_1144 = arith.constant 3 : i32
      %dma_wait3A_1145 = arith.constant 55 : i32
      %dma_wait3A_1146 = arith.constant 1 : i32
      %dma_wait3A_1147 = tpu.memref_slice %arg5[%dma_wait3A_1146] : memref<3x!tpu.dma_semaphore, #tpu.memory_space<semaphore_mem>> -> memref<1x!tpu.dma_semaphore, #tpu.memory_space<semaphore_mem>>
      %dma_wait3A_1148 = tpu.memref_squeeze %dma_wait3A_1147 : memref<1x!tpu.dma_semaphore, #tpu.memory_space<semaphore_mem>> -> memref<!tpu.dma_semaphore, #tpu.memory_space<semaphore_mem>>
      %dma_wait3A_1149 = arith.constant 0 : i32
      %dma_wait3A_1150 = arith.constant 0 : i32
      %dma_wait3A_1151 = arith.constant 0 : i32
      %dma_wait3A_1152 = tpu.memref_slice %arg3[%dma_wait3A_1145, %dma_wait3A_1149, %dma_wait3A_1150, %dma_wait3A_1151] : memref<64x16x64x256xf32, #tpu.memory_space<hbm>> -> memref<1x16x64x256xf32, #tpu.memory_space<hbm>>
      %dma_wait3A_1153 = tpu.memref_squeeze %dma_wait3A_1152 : memref<1x16x64x256xf32, #tpu.memory_space<hbm>> -> memref<16x64x256xf32, #tpu.memory_space<hbm>>
      %dma_wait3A_1154 = arith.constant 0 : i32
      %dma_wait3A_1155 = arith.constant 0 : i32
      %dma_wait3A_1156 = arith.constant 0 : i32
      %dma_wait3A_1157 = tpu.memref_slice %arg4[%dma_wait3A_1143, %dma_wait3A_1144, %dma_wait3A_1154, %dma_wait3A_1155, %dma_wait3A_1156] : memref<3x4x16x64x256xf32, #tpu.memory_space<vmem>> -> memref<1x1x16x64x256xf32, #tpu.memory_space<vmem>>
      %dma_wait3A_1158 = tpu.memref_squeeze %dma_wait3A_1157 : memref<1x1x16x64x256xf32, #tpu.memory_space<vmem>> -> memref<16x64x256xf32, #tpu.memory_space<vmem>>
      tpu.wait_dma2 semaphore(%dma_wait3A_1148 : memref<!tpu.dma_semaphore, #tpu.memory_space<semaphore_mem>>) src(%dma_wait3A_1158 : memref<16x64x256xf32, #tpu.memory_space<vmem>>) dst(%dma_wait3A_1153 : memref<16x64x256xf32, #tpu.memory_space<hbm>>)
      %dma_wait3A_1159 = arith.constant 2 : i32
      %dma_wait3A_1160 = arith.constant 0 : i32
      %dma_wait3A_1161 = arith.constant 56 : i32
      %dma_wait3A_1162 = arith.constant 2 : i32
      %dma_wait3A_1163 = tpu.memref_slice %arg5[%dma_wait3A_1162] : memref<3x!tpu.dma_semaphore, #tpu.memory_space<semaphore_mem>> -> memref<1x!tpu.dma_semaphore, #tpu.memory_space<semaphore_mem>>
      %dma_wait3A_1164 = tpu.memref_squeeze %dma_wait3A_1163 : memref<1x!tpu.dma_semaphore, #tpu.memory_space<semaphore_mem>> -> memref<!tpu.dma_semaphore, #tpu.memory_space<semaphore_mem>>
      %dma_wait3A_1165 = arith.constant 0 : i32
      %dma_wait3A_1166 = arith.constant 0 : i32
      %dma_wait3A_1167 = arith.constant 0 : i32
      %dma_wait3A_1168 = tpu.memref_slice %arg3[%dma_wait3A_1161, %dma_wait3A_1165, %dma_wait3A_1166, %dma_wait3A_1167] : memref<64x16x64x256xf32, #tpu.memory_space<hbm>> -> memref<1x16x64x256xf32, #tpu.memory_space<hbm>>
      %dma_wait3A_1169 = tpu.memref_squeeze %dma_wait3A_1168 : memref<1x16x64x256xf32, #tpu.memory_space<hbm>> -> memref<16x64x256xf32, #tpu.memory_space<hbm>>
      %dma_wait3A_1170 = arith.constant 0 : i32
      %dma_wait3A_1171 = arith.constant 0 : i32
      %dma_wait3A_1172 = arith.constant 0 : i32
      %dma_wait3A_1173 = tpu.memref_slice %arg4[%dma_wait3A_1159, %dma_wait3A_1160, %dma_wait3A_1170, %dma_wait3A_1171, %dma_wait3A_1172] : memref<3x4x16x64x256xf32, #tpu.memory_space<vmem>> -> memref<1x1x16x64x256xf32, #tpu.memory_space<vmem>>
      %dma_wait3A_1174 = tpu.memref_squeeze %dma_wait3A_1173 : memref<1x1x16x64x256xf32, #tpu.memory_space<vmem>> -> memref<16x64x256xf32, #tpu.memory_space<vmem>>
      tpu.wait_dma2 semaphore(%dma_wait3A_1164 : memref<!tpu.dma_semaphore, #tpu.memory_space<semaphore_mem>>) src(%dma_wait3A_1174 : memref<16x64x256xf32, #tpu.memory_space<vmem>>) dst(%dma_wait3A_1169 : memref<16x64x256xf32, #tpu.memory_space<hbm>>)
      %dma_wait3A_1175 = arith.constant 2 : i32
      %dma_wait3A_1176 = arith.constant 1 : i32
      %dma_wait3A_1177 = arith.constant 57 : i32
      %dma_wait3A_1178 = arith.constant 2 : i32
      %dma_wait3A_1179 = tpu.memref_slice %arg5[%dma_wait3A_1178] : memref<3x!tpu.dma_semaphore, #tpu.memory_space<semaphore_mem>> -> memref<1x!tpu.dma_semaphore, #tpu.memory_space<semaphore_mem>>
      %dma_wait3A_1180 = tpu.memref_squeeze %dma_wait3A_1179 : memref<1x!tpu.dma_semaphore, #tpu.memory_space<semaphore_mem>> -> memref<!tpu.dma_semaphore, #tpu.memory_space<semaphore_mem>>
      %dma_wait3A_1181 = arith.constant 0 : i32
      %dma_wait3A_1182 = arith.constant 0 : i32
      %dma_wait3A_1183 = arith.constant 0 : i32
      %dma_wait3A_1184 = tpu.memref_slice %arg3[%dma_wait3A_1177, %dma_wait3A_1181, %dma_wait3A_1182, %dma_wait3A_1183] : memref<64x16x64x256xf32, #tpu.memory_space<hbm>> -> memref<1x16x64x256xf32, #tpu.memory_space<hbm>>
      %dma_wait3A_1185 = tpu.memref_squeeze %dma_wait3A_1184 : memref<1x16x64x256xf32, #tpu.memory_space<hbm>> -> memref<16x64x256xf32, #tpu.memory_space<hbm>>
      %dma_wait3A_1186 = arith.constant 0 : i32
      %dma_wait3A_1187 = arith.constant 0 : i32
      %dma_wait3A_1188 = arith.constant 0 : i32
      %dma_wait3A_1189 = tpu.memref_slice %arg4[%dma_wait3A_1175, %dma_wait3A_1176, %dma_wait3A_1186, %dma_wait3A_1187, %dma_wait3A_1188] : memref<3x4x16x64x256xf32, #tpu.memory_space<vmem>> -> memref<1x1x16x64x256xf32, #tpu.memory_space<vmem>>
      %dma_wait3A_1190 = tpu.memref_squeeze %dma_wait3A_1189 : memref<1x1x16x64x256xf32, #tpu.memory_space<vmem>> -> memref<16x64x256xf32, #tpu.memory_space<vmem>>
      tpu.wait_dma2 semaphore(%dma_wait3A_1180 : memref<!tpu.dma_semaphore, #tpu.memory_space<semaphore_mem>>) src(%dma_wait3A_1190 : memref<16x64x256xf32, #tpu.memory_space<vmem>>) dst(%dma_wait3A_1185 : memref<16x64x256xf32, #tpu.memory_space<hbm>>)
      %dma_wait3A_1191 = arith.constant 2 : i32
      %dma_wait3A_1192 = arith.constant 2 : i32
      %dma_wait3A_1193 = arith.constant 58 : i32
      %dma_wait3A_1194 = arith.constant 2 : i32
      %dma_wait3A_1195 = tpu.memref_slice %arg5[%dma_wait3A_1194] : memref<3x!tpu.dma_semaphore, #tpu.memory_space<semaphore_mem>> -> memref<1x!tpu.dma_semaphore, #tpu.memory_space<semaphore_mem>>
      %dma_wait3A_1196 = tpu.memref_squeeze %dma_wait3A_1195 : memref<1x!tpu.dma_semaphore, #tpu.memory_space<semaphore_mem>> -> memref<!tpu.dma_semaphore, #tpu.memory_space<semaphore_mem>>
      %dma_wait3A_1197 = arith.constant 0 : i32
      %dma_wait3A_1198 = arith.constant 0 : i32
      %dma_wait3A_1199 = arith.constant 0 : i32
      %dma_wait3A_1200 = tpu.memref_slice %arg3[%dma_wait3A_1193, %dma_wait3A_1197, %dma_wait3A_1198, %dma_wait3A_1199] : memref<64x16x64x256xf32, #tpu.memory_space<hbm>> -> memref<1x16x64x256xf32, #tpu.memory_space<hbm>>
      %dma_wait3A_1201 = tpu.memref_squeeze %dma_wait3A_1200 : memref<1x16x64x256xf32, #tpu.memory_space<hbm>> -> memref<16x64x256xf32, #tpu.memory_space<hbm>>
      %dma_wait3A_1202 = arith.constant 0 : i32
      %dma_wait3A_1203 = arith.constant 0 : i32
      %dma_wait3A_1204 = arith.constant 0 : i32
      %dma_wait3A_1205 = tpu.memref_slice %arg4[%dma_wait3A_1191, %dma_wait3A_1192, %dma_wait3A_1202, %dma_wait3A_1203, %dma_wait3A_1204] : memref<3x4x16x64x256xf32, #tpu.memory_space<vmem>> -> memref<1x1x16x64x256xf32, #tpu.memory_space<vmem>>
      %dma_wait3A_1206 = tpu.memref_squeeze %dma_wait3A_1205 : memref<1x1x16x64x256xf32, #tpu.memory_space<vmem>> -> memref<16x64x256xf32, #tpu.memory_space<vmem>>
      tpu.wait_dma2 semaphore(%dma_wait3A_1196 : memref<!tpu.dma_semaphore, #tpu.memory_space<semaphore_mem>>) src(%dma_wait3A_1206 : memref<16x64x256xf32, #tpu.memory_space<vmem>>) dst(%dma_wait3A_1201 : memref<16x64x256xf32, #tpu.memory_space<hbm>>)
      %dma_wait3A_1207 = arith.constant 2 : i32
      %dma_wait3A_1208 = arith.constant 3 : i32
      %dma_wait3A_1209 = arith.constant 59 : i32
      %dma_wait3A_1210 = arith.constant 2 : i32
      %dma_wait3A_1211 = tpu.memref_slice %arg5[%dma_wait3A_1210] : memref<3x!tpu.dma_semaphore, #tpu.memory_space<semaphore_mem>> -> memref<1x!tpu.dma_semaphore, #tpu.memory_space<semaphore_mem>>
      %dma_wait3A_1212 = tpu.memref_squeeze %dma_wait3A_1211 : memref<1x!tpu.dma_semaphore, #tpu.memory_space<semaphore_mem>> -> memref<!tpu.dma_semaphore, #tpu.memory_space<semaphore_mem>>
      %dma_wait3A_1213 = arith.constant 0 : i32
      %dma_wait3A_1214 = arith.constant 0 : i32
      %dma_wait3A_1215 = arith.constant 0 : i32
      %dma_wait3A_1216 = tpu.memref_slice %arg3[%dma_wait3A_1209, %dma_wait3A_1213, %dma_wait3A_1214, %dma_wait3A_1215] : memref<64x16x64x256xf32, #tpu.memory_space<hbm>> -> memref<1x16x64x256xf32, #tpu.memory_space<hbm>>
      %dma_wait3A_1217 = tpu.memref_squeeze %dma_wait3A_1216 : memref<1x16x64x256xf32, #tpu.memory_space<hbm>> -> memref<16x64x256xf32, #tpu.memory_space<hbm>>
      %dma_wait3A_1218 = arith.constant 0 : i32
      %dma_wait3A_1219 = arith.constant 0 : i32
      %dma_wait3A_1220 = arith.constant 0 : i32
      %dma_wait3A_1221 = tpu.memref_slice %arg4[%dma_wait3A_1207, %dma_wait3A_1208, %dma_wait3A_1218, %dma_wait3A_1219, %dma_wait3A_1220] : memref<3x4x16x64x256xf32, #tpu.memory_space<vmem>> -> memref<1x1x16x64x256xf32, #tpu.memory_space<vmem>>
      %dma_wait3A_1222 = tpu.memref_squeeze %dma_wait3A_1221 : memref<1x1x16x64x256xf32, #tpu.memory_space<vmem>> -> memref<16x64x256xf32, #tpu.memory_space<vmem>>
      tpu.wait_dma2 semaphore(%dma_wait3A_1212 : memref<!tpu.dma_semaphore, #tpu.memory_space<semaphore_mem>>) src(%dma_wait3A_1222 : memref<16x64x256xf32, #tpu.memory_space<vmem>>) dst(%dma_wait3A_1217 : memref<16x64x256xf32, #tpu.memory_space<hbm>>)
      %dma_wait3A_1223 = arith.constant 0 : i32
      %dma_wait3A_1224 = arith.constant 0 : i32
      %dma_wait3A_1225 = arith.constant 60 : i32
      %dma_wait3A_1226 = arith.constant 0 : i32
      %dma_wait3A_1227 = tpu.memref_slice %arg5[%dma_wait3A_1226] : memref<3x!tpu.dma_semaphore, #tpu.memory_space<semaphore_mem>> -> memref<1x!tpu.dma_semaphore, #tpu.memory_space<semaphore_mem>>
      %dma_wait3A_1228 = tpu.memref_squeeze %dma_wait3A_1227 : memref<1x!tpu.dma_semaphore, #tpu.memory_space<semaphore_mem>> -> memref<!tpu.dma_semaphore, #tpu.memory_space<semaphore_mem>>
      %dma_wait3A_1229 = arith.constant 0 : i32
      %dma_wait3A_1230 = arith.constant 0 : i32
      %dma_wait3A_1231 = arith.constant 0 : i32
      %dma_wait3A_1232 = tpu.memref_slice %arg3[%dma_wait3A_1225, %dma_wait3A_1229, %dma_wait3A_1230, %dma_wait3A_1231] : memref<64x16x64x256xf32, #tpu.memory_space<hbm>> -> memref<1x16x64x256xf32, #tpu.memory_space<hbm>>
      %dma_wait3A_1233 = tpu.memref_squeeze %dma_wait3A_1232 : memref<1x16x64x256xf32, #tpu.memory_space<hbm>> -> memref<16x64x256xf32, #tpu.memory_space<hbm>>
      %dma_wait3A_1234 = arith.constant 0 : i32
      %dma_wait3A_1235 = arith.constant 0 : i32
      %dma_wait3A_1236 = arith.constant 0 : i32
      %dma_wait3A_1237 = tpu.memref_slice %arg4[%dma_wait3A_1223, %dma_wait3A_1224, %dma_wait3A_1234, %dma_wait3A_1235, %dma_wait3A_1236] : memref<3x4x16x64x256xf32, #tpu.memory_space<vmem>> -> memref<1x1x16x64x256xf32, #tpu.memory_space<vmem>>
      %dma_wait3A_1238 = tpu.memref_squeeze %dma_wait3A_1237 : memref<1x1x16x64x256xf32, #tpu.memory_space<vmem>> -> memref<16x64x256xf32, #tpu.memory_space<vmem>>
      tpu.wait_dma2 semaphore(%dma_wait3A_1228 : memref<!tpu.dma_semaphore, #tpu.memory_space<semaphore_mem>>) src(%dma_wait3A_1238 : memref<16x64x256xf32, #tpu.memory_space<vmem>>) dst(%dma_wait3A_1233 : memref<16x64x256xf32, #tpu.memory_space<hbm>>)
      %dma_wait3A_1239 = arith.constant 0 : i32
      %dma_wait3A_1240 = arith.constant 1 : i32
      %dma_wait3A_1241 = arith.constant 61 : i32
      %dma_wait3A_1242 = arith.constant 0 : i32
      %dma_wait3A_1243 = tpu.memref_slice %arg5[%dma_wait3A_1242] : memref<3x!tpu.dma_semaphore, #tpu.memory_space<semaphore_mem>> -> memref<1x!tpu.dma_semaphore, #tpu.memory_space<semaphore_mem>>
      %dma_wait3A_1244 = tpu.memref_squeeze %dma_wait3A_1243 : memref<1x!tpu.dma_semaphore, #tpu.memory_space<semaphore_mem>> -> memref<!tpu.dma_semaphore, #tpu.memory_space<semaphore_mem>>
      %dma_wait3A_1245 = arith.constant 0 : i32
      %dma_wait3A_1246 = arith.constant 0 : i32
      %dma_wait3A_1247 = arith.constant 0 : i32
      %dma_wait3A_1248 = tpu.memref_slice %arg3[%dma_wait3A_1241, %dma_wait3A_1245, %dma_wait3A_1246, %dma_wait3A_1247] : memref<64x16x64x256xf32, #tpu.memory_space<hbm>> -> memref<1x16x64x256xf32, #tpu.memory_space<hbm>>
      %dma_wait3A_1249 = tpu.memref_squeeze %dma_wait3A_1248 : memref<1x16x64x256xf32, #tpu.memory_space<hbm>> -> memref<16x64x256xf32, #tpu.memory_space<hbm>>
      %dma_wait3A_1250 = arith.constant 0 : i32
      %dma_wait3A_1251 = arith.constant 0 : i32
      %dma_wait3A_1252 = arith.constant 0 : i32
      %dma_wait3A_1253 = tpu.memref_slice %arg4[%dma_wait3A_1239, %dma_wait3A_1240, %dma_wait3A_1250, %dma_wait3A_1251, %dma_wait3A_1252] : memref<3x4x16x64x256xf32, #tpu.memory_space<vmem>> -> memref<1x1x16x64x256xf32, #tpu.memory_space<vmem>>
      %dma_wait3A_1254 = tpu.memref_squeeze %dma_wait3A_1253 : memref<1x1x16x64x256xf32, #tpu.memory_space<vmem>> -> memref<16x64x256xf32, #tpu.memory_space<vmem>>
      tpu.wait_dma2 semaphore(%dma_wait3A_1244 : memref<!tpu.dma_semaphore, #tpu.memory_space<semaphore_mem>>) src(%dma_wait3A_1254 : memref<16x64x256xf32, #tpu.memory_space<vmem>>) dst(%dma_wait3A_1249 : memref<16x64x256xf32, #tpu.memory_space<hbm>>)
      %dma_wait3A_1255 = arith.constant 0 : i32
      %dma_wait3A_1256 = arith.constant 2 : i32
      %dma_wait3A_1257 = arith.constant 62 : i32
      %dma_wait3A_1258 = arith.constant 0 : i32
      %dma_wait3A_1259 = tpu.memref_slice %arg5[%dma_wait3A_1258] : memref<3x!tpu.dma_semaphore, #tpu.memory_space<semaphore_mem>> -> memref<1x!tpu.dma_semaphore, #tpu.memory_space<semaphore_mem>>
      %dma_wait3A_1260 = tpu.memref_squeeze %dma_wait3A_1259 : memref<1x!tpu.dma_semaphore, #tpu.memory_space<semaphore_mem>> -> memref<!tpu.dma_semaphore, #tpu.memory_space<semaphore_mem>>
      %dma_wait3A_1261 = arith.constant 0 : i32
      %dma_wait3A_1262 = arith.constant 0 : i32
      %dma_wait3A_1263 = arith.constant 0 : i32
      %dma_wait3A_1264 = tpu.memref_slice %arg3[%dma_wait3A_1257, %dma_wait3A_1261, %dma_wait3A_1262, %dma_wait3A_1263] : memref<64x16x64x256xf32, #tpu.memory_space<hbm>> -> memref<1x16x64x256xf32, #tpu.memory_space<hbm>>
      %dma_wait3A_1265 = tpu.memref_squeeze %dma_wait3A_1264 : memref<1x16x64x256xf32, #tpu.memory_space<hbm>> -> memref<16x64x256xf32, #tpu.memory_space<hbm>>
      %dma_wait3A_1266 = arith.constant 0 : i32
      %dma_wait3A_1267 = arith.constant 0 : i32
      %dma_wait3A_1268 = arith.constant 0 : i32
      %dma_wait3A_1269 = tpu.memref_slice %arg4[%dma_wait3A_1255, %dma_wait3A_1256, %dma_wait3A_1266, %dma_wait3A_1267, %dma_wait3A_1268] : memref<3x4x16x64x256xf32, #tpu.memory_space<vmem>> -> memref<1x1x16x64x256xf32, #tpu.memory_space<vmem>>
      %dma_wait3A_1270 = tpu.memref_squeeze %dma_wait3A_1269 : memref<1x1x16x64x256xf32, #tpu.memory_space<vmem>> -> memref<16x64x256xf32, #tpu.memory_space<vmem>>
      tpu.wait_dma2 semaphore(%dma_wait3A_1260 : memref<!tpu.dma_semaphore, #tpu.memory_space<semaphore_mem>>) src(%dma_wait3A_1270 : memref<16x64x256xf32, #tpu.memory_space<vmem>>) dst(%dma_wait3A_1265 : memref<16x64x256xf32, #tpu.memory_space<hbm>>)
      %dma_wait3A_1271 = arith.constant 0 : i32
      %dma_wait3A_1272 = arith.constant 3 : i32
      %dma_wait3A_1273 = arith.constant 63 : i32
      %dma_wait3A_1274 = arith.constant 0 : i32
      %dma_wait3A_1275 = tpu.memref_slice %arg5[%dma_wait3A_1274] : memref<3x!tpu.dma_semaphore, #tpu.memory_space<semaphore_mem>> -> memref<1x!tpu.dma_semaphore, #tpu.memory_space<semaphore_mem>>
      %dma_wait3A_1276 = tpu.memref_squeeze %dma_wait3A_1275 : memref<1x!tpu.dma_semaphore, #tpu.memory_space<semaphore_mem>> -> memref<!tpu.dma_semaphore, #tpu.memory_space<semaphore_mem>>
      %dma_wait3A_1277 = arith.constant 0 : i32
      %dma_wait3A_1278 = arith.constant 0 : i32
      %dma_wait3A_1279 = arith.constant 0 : i32
      %dma_wait3A_1280 = tpu.memref_slice %arg3[%dma_wait3A_1273, %dma_wait3A_1277, %dma_wait3A_1278, %dma_wait3A_1279] : memref<64x16x64x256xf32, #tpu.memory_space<hbm>> -> memref<1x16x64x256xf32, #tpu.memory_space<hbm>>
      %dma_wait3A_1281 = tpu.memref_squeeze %dma_wait3A_1280 : memref<1x16x64x256xf32, #tpu.memory_space<hbm>> -> memref<16x64x256xf32, #tpu.memory_space<hbm>>
      %dma_wait3A_1282 = arith.constant 0 : i32
      %dma_wait3A_1283 = arith.constant 0 : i32
      %dma_wait3A_1284 = arith.constant 0 : i32
      %dma_wait3A_1285 = tpu.memref_slice %arg4[%dma_wait3A_1271, %dma_wait3A_1272, %dma_wait3A_1282, %dma_wait3A_1283, %dma_wait3A_1284] : memref<3x4x16x64x256xf32, #tpu.memory_space<vmem>> -> memref<1x1x16x64x256xf32, #tpu.memory_space<vmem>>
      %dma_wait3A_1286 = tpu.memref_squeeze %dma_wait3A_1285 : memref<1x1x16x64x256xf32, #tpu.memory_space<vmem>> -> memref<16x64x256xf32, #tpu.memory_space<vmem>>
      tpu.wait_dma2 semaphore(%dma_wait3A_1276 : memref<!tpu.dma_semaphore, #tpu.memory_space<semaphore_mem>>) src(%dma_wait3A_1286 : memref<16x64x256xf32, #tpu.memory_space<vmem>>) dst(%dma_wait3A_1281 : memref<16x64x256xf32, #tpu.memory_space<hbm>>)
    } else {
    }
    return
  }
  func.func @transform_0(%arg0: i32) -> (i32, i32) {
    %c0_i32 = arith.constant 0 : i32
    %c0_i32_0 = arith.constant 0 : i32
    %c0_i32_1 = arith.constant 0 : i32
    return %c0_i32, %c0_i32_0 : i32, i32
  }
  func.func @transform_1(%arg0: i32) -> (i32, i32, i32, i32) {
    %c0_i32 = arith.constant 0 : i32
    %c0_i32_0 = arith.constant 0 : i32
    %c0_i32_1 = arith.constant 0 : i32
    %c0_i32_2 = arith.constant 0 : i32
    return %c0_i32, %arg0, %c0_i32_0, %c0_i32_1 : i32, i32, i32, i32
  }
}

module attributes {stable_mosaic.version = 14 : i64} {
  func.func @_softmax_t_kernel(%arg0: memref<256x256xf32, #tpu.memory_space<vmem>>, %arg1: memref<256x256xf32, #tpu.memory_space<vmem>>) attributes {dimension_semantics = [], scalar_prefetch = 0 : i64, scratch_operands = 0 : i64, tpu.core_type = #tpu.core_type<tc>} {
    %get3A = arith.constant 0 : index
    %get3A_0 = arith.constant 0 : index
    %get3A_1 = vector.load %arg0[%get3A, %get3A_0] : memref<256x256xf32, #tpu.memory_space<vmem>>, vector<256x256xf32>
    %reduce_max3A = arith.constant dense<0xFF800000> : vector<256xf32>
    %reduce_max3A_2 = vector.multi_reduction <maximumf>, %get3A_1, %reduce_max3A [1] : vector<256x256xf32> to vector<256xf32>
    %broadcast_in_dim3A = vector.shape_cast %reduce_max3A_2 : vector<256xf32> to vector<256x1xf32>
    %sub3A = vector.broadcast %broadcast_in_dim3A : vector<256x1xf32> to vector<256x256xf32>
    %sub3A_3 = arith.subf %get3A_1, %sub3A : vector<256x256xf32>
    %exp3A = math.exp %sub3A_3 : vector<256x256xf32>
    %reduce_sum3A = arith.constant dense<0.000000e+00> : vector<256xf32>
    %reduce_sum3A_4 = vector.multi_reduction <add>, %exp3A, %reduce_sum3A [1] : vector<256x256xf32> to vector<256xf32>
    %broadcast_in_dim3A_5 = vector.shape_cast %reduce_sum3A_4 : vector<256xf32> to vector<256x1xf32>
    %div3A = vector.broadcast %broadcast_in_dim3A_5 : vector<256x1xf32> to vector<256x256xf32>
    %div3A_6 = arith.divf %exp3A, %div3A : vector<256x256xf32>
    %transpose3A = tpu.transpose %div3A_6, [1, 0] : vector<256x256xf32> -> vector<256x256xf32>
    %swap3A = arith.constant 0 : index
    %swap3A_7 = arith.constant 0 : index
    %swap3A_8 = vector.load %arg1[%swap3A, %swap3A_7] : memref<256x256xf32, #tpu.memory_space<vmem>>, vector<256x256xf32>
    tpu.vector_store %arg1[%swap3A, %swap3A_7], %transpose3A {strides = array<i32>} : memref<256x256xf32, #tpu.memory_space<vmem>>, vector<256x256xf32>,
    return
  }
}

</mosaic_0001>

<sc_bundles>
// kernel: sparse-core-data-format-call.cloned.1.call-start
scs
called_computation_lowered:
.L_overlay_start_0:
0x0: {  	s2 =	sld [smem:$0x3FD9]  }
0x1: {  	s3 =	sld [smem:$0x3FFE];
	_ =	sdelay $0x1  }
0x2: {  	s1 =	srdreg.scid  }
0x3: {  	s0 =	sand.u32 $0x1, s1  }
0x4: {  	s18 =	sshll.u32 s0, $0xA;
	s2 =	sadd.s32 s3, s2  }
0x5: {  	s2 =	sadd.s32 s2, s18  }
0x6: {  	[smem:$0x3FC6] =	sst s2  }
0x7: {  	_ = 	snop  }
0x8: {  	s2 =	sld [smem:$0x3FD0];
	(tm) =	ssettm $0x1  }
0x9: {  	s19 =	sld [smem:$0x3FFB];
	_ =	sdelay $0x3  }
0xa: {  	_ =	strace s19  }
0xb: {  	s3 =	sld [smem:$0x3FFC];
	_ =	sdelay $0x3  }
0xc: {  	_ =	strace s3  }
0xd: {  	s3 =	sld [smem:$0x3FFD];
	_ =	sdelay $0x3  }
0xe: {  	_ =	strace s3  }
0xf: {  	_ =	strace $0x8FFFFFFF  }
0x10: {  	s20 =	sld [smem:$0x3FDB];
	_ =	sdelay $0x1  }
0x11: {  	s4 =	simm.s32 $_scs_section_size  }
0x12: {  	s5 =	simm.s32 $_size__tile_overlayer_lowered;
	s6 =	simm.s32 $_tile_overlayer_lowered  }
0x13: {  	s23 =	simm.s32 $0x1BFF;
	s22 =	sshll.u32 s6, $0x1;
	s3 =	sadd.s32 s4, s20  }
0x14: {  	s7 =	simm.s32 $0x0;
	s21 =	sshll.u32 s5, $0x1;
	s5 =	sadd.s32 s22, s3  }
0x15: {  	[timem:s7], [sflag:s23] =	dma.local [hbm:s5], s21  }
0x16: {  	_ =	swait.ge [sflag:s23], s21  }
0x17: {  	s4 =	ssub.s32 $0x0, s21;
	[sflag:s23] =	ssyncset.done $0x0  }
0x18: {  	[sflag:s23] =	ssyncadd.s32 s4;
	_ =	sdelay $0x1  }
0x19: {  	s24 =	simm.s32 $0x1B8B  }
0x1a: {  	_ =	swait.ge [sflag:s24], $0x1  }
0x1b: {  	[sflag:s24] =	ssyncset.done $0x0  }
0x1c: {  	s26 =	simm.s32 $0x1B8E;
	s25 =	sld [smem:$0x3FFE];
	[sflag:s24] =	ssyncadd.s32 $0xFFFFFFFF  }
0x1d: {  	s27 =	simm.s32 $execute0_lowered;
	[smem:$0x3FD2] =	sst s26  }
0x1e: {  	s5 =	sshll.u32 s27, $0x1;
	_ =	strace $0x80000046;
	[dreg:$0x1] =	wrdreg $0xFFFFFFFF  }
0x1f: {  	s28 =	simm.s32 $_size_execute0_lowered;
	s3 =	sadd.s32 s3, s5;
	[dreg:$0x0] =	wrdreg $0x0  }
0x20: {  	s5 =	sshll.u32 s28, $0x1;
	[dreg:$0x2] =	wrdreg s3  }
0x21: {  	[dreg:$0x3] =	wrdreg s5  }
0x22: {  	[dreg:$0x4] =	wrdreg $0xC0  }
0x23: {  	_ =	task [dreg:s7], $0x5FFFF  }
0x24: {  	[dreg:$0x1] =	wrdreg $0xFFFFFFFF  }
0x25: {  	[dreg:$0x0] =	wrdreg $0x60  }
0x26: {  	[dreg:$0x2] =	wrdreg s25  }
0x27: {  	[dreg:$0x3] =	wrdreg s2  }
0x28: {  	[dreg:$0x4] =	wrdreg $0x9  }
0x29: {  	_ =	task.clear_ibuf [dreg:s7], $0x5FFFF;
	_ =	strace $0x90000046  }
0x2a: {  	s29 =	simm.s32 $0x9;
	_ =	strace $0x80000048  }
0x2b: {  	_ =	swait.ge [sflag:s29], $0x1  }
0x2c: {  	[sflag:s29] =	ssyncadd.s32 $0xFFFFFFFF  }
0x2d: {  	_ =	strace $0x90000048  }
0x2e: {  	_ =	sfence  }
0x2f: {  	s30 =	sld [smem:$0x0];
	_ =	sdelay $0x2  }
0x30: {  	s31 =	sshll.u32 s1, $0xD;
	s1 =	sshrl.u32 s1, $0x2  }
0x31: {  	s3 =	sand.u32 $0x4000, s31;
	s1 =	sadd.s32 s1, s30  }
0x32: {  	s0 =	sor.u32 s3, s0;
	s1 =	sshll.u32 s1, $0x11  }
0x33: {  	s0 =	sor.u32 s1, s0  }
0x34: {  	s0 =	sadd.s32 $0x8F2B, s0  }
0x35: {  	[sflag:s0] =	ssyncadd.remote.s32 $0x1  }
0x36: {  	_ =	sfence.sel $0xFFFF  }
0x37: {  	[dreg:$0x0] =	wrdreg $0xFFFFFFFF;
	(pc) =	sbr.abs _section_cstart, $3  }
0x38: {  	[dreg:$0x1] =	wrdreg $0xFFFFFFFF  }
0x39: {  	_ =	task.clear_ibuf [dreg:s7], $0x2FFFF;
	_ =	strace $0x9FFFFFFF  }
0x3a: {  	(tm) =	ssettm $0x7FFFFFFF  }
0x3b: {  	_ =	shalt  }
tec
execute0_lowered:
.L_overlay_start_1:
0x0: {  	(tag) =	ssettag $0x1  }
0x1: {  	s1 =	rddreg [dreg:$0x0]  }
0x2: {  	s2 =	rddreg [dreg:$0x1]  }
0x3: {  	s0 =	rddreg [dreg:$0x2];
	_ =	strace $0x80000047;
	s4 =	srdreg.scid  }
0x4: {  	s6 =	simm.s32 $0x2;
	s11 =	simm.s32 $0x0;
	p0 =	por $0x0, $0x0  }
.Ltmp0:
0x5: {  	s7 =	simm.s32 $0x8000;
	s12 =	simm.s32 $0x0;
	(pc) =	sbr.rel .LBB1_1-.Ltmp0, $4  }
0x6: {  	s9 =	simm.s32 $0x0;
	s3 =	sadd.s32 $0x600, s1;
	s5 =	sshll.u32 s4, $0x4  }
0x7: {  	s1 =	stileid.u32;
	s4 =	simm.s32 $0x1;
	s5 =	sand.u32 $0x10, s5  }
0x8: {  	s8 =	simm.s32 $0x0;
	[sflag:s4] =	ssyncpa.u1 $0x0;
	s5 =	sor.u32 s1, s5  }
0x9: {  	[sflag:s6] =	ssyncpa.u1 $0x0;
	s6 =	simm.s32 $0x800;
	s10 =	smov.u32 s5  }
.LBB1_7:
0xa: {  	s13 =	sadd.s32 $0x1, s9  }
0xb: {  	s11 =	sadd.s32 $0x20, s10;
	s15 =	smov.u32 s10;
	p2 =	sgt.s32 s13, $0xF  }
0xc: {  	p1 =	slt.u32 s8, $0x2;
	s15 =	smov.u32 @p2 s11  }
0xd: {  	s8 =	sadd.s32 $0x1, s8;
	s13 =	simm.s32 @p2 $0x0;
	p2 =	sgt.s32 s15, $0x3F  }
0xe: {  	s15 =	smov.u32 @p2 s5;
	p2 =	sne.s32 s8, $0x22  }
.Ltmp1:
0xf: {  	_ = 	snop;
	(pc) =	sbr.rel @!p2 .LBB1_8-.Ltmp1, $4  }
0x10: {  	s14 =	simm.s32 @!p1 $0x2  }
0x11: {  	s12 =	smov.u32 s10;
	_ =	swait.ge @!p1 [sflag:s14], $0x4000  }
0x12: {  	p0 =	por !p0, !p0;
	s11 =	smov.u32 s9;
	[sflag:s14] =	ssyncset.done @!p1 $0x0  }
0x13: {  	s9 =	smov.u32 s13;
	[sflag:s14] =	ssyncadd.s32 @!p1 $0xFFFFC000;
	s10 =	smov.u32 s15  }
.LBB1_1:
0x14: {  	p1 =	sgt.u32 s8, $0x1F  }
0x15: {  	s13 =	sxor.u32 @!p1 $0xFFFFFFFF, s8;
	s14 =	sshll.u32 @!p1 s10, $0xF  }
0x16: {  	s15 =	sshll.u32 @!p1 s9, $0xB;
	s13 =	sshll.u32 @!p1 s13, $0xE;
	s14 =	sadd.s32 @!p1 s3, s14  }
0x17: {  	s13 =	sand.u32 @!p1 $0x4000, s13;
	s14 =	sadd.s32 @!p1 s15, s14;
	s15 =	simm.s32 @!p1 $0x0  }
0x18: {  	[tilespmem:s13], [sflag:$0x1] =	stream.linear.gather @!p1 [hbm4b:s14+s15], $0x4000, $0x38;
	[tilespmem:$0x10000] =	vst v63  }
0x19: {  	p1 =	seq.s32 s8, $0x0  }
0x1a: {  	p2 =	seq.s32 @!p1 s8, $0x21  }
0x1b: {  	p1 =	por p1, p2  }
.Ltmp2:
0x1c: {  	_ = 	snop;
	(pc) =	sbr.rel @p1 .LBB1_7-.Ltmp2, $1  }
0x1d: {  	_ =	sdelay $0x3  }
0x1e: {  	s13 =	simm.s32 $0x1;
	_ =	swait.ge [sflag:s4], $0x4000;
	s16 =	sshll.u32 s8, $0xE  }
0x1f: {  	s13 =	simm.s32 @!p0 $0x0;
	[sflag:s4] =	ssyncset.done $0x0;
	s31 =	sand.u32 $0x4000, s16  }
0x20: {  	s16 =	simm.s32 $0x0;
	s14 =	sshll.u32 s13, $0xE;
	[sflag:s4] =	ssyncadd.s32 $0xFFFFC000  }
0x21: {  	s13 =	sor.u32 $0x400, s14;
	s15 =	sor.u32 $0x8470, s14;
	s14 =	sor.u32 $0x8000, s31  }
.LBB1_3:
0x22: {  	v1 =	vmov s13;
	_ =	sdelay $0x3  }
0x23: {  	s17 =	simm.s32 $0x0  }
0x24: {  	v2 =	vld.idx.msk [tilespmem:v1+s17+$0x70 ss:$0x1], $0xffff  }
0x25: {  	v0 =	vmov s15;
	v3 =	vld.idx.msk [tilespmem:v1+s17+$0xFFFFFC00 ss:$0x1], $0xffff  }
0x26: {  	v4 =	vld.idx.msk [tilespmem:v1+s17+$0xFFFFFC10 ss:$0x1], $0xffff  }
0x27: {  	v5 =	vld.idx.msk [tilespmem:v1+s17+$0xFFFFFC20 ss:$0x1], $0xffff  }
0x28: {  	v6 =	vld.idx.msk [tilespmem:v1+s17+$0xFFFFFC30 ss:$0x1], $0xffff  }
0x29: {  	v7 =	vld.idx.msk [tilespmem:v1+s17+$0xFFFFFC40 ss:$0x1], $0xffff  }
0x2a: {  	v8 =	vld.idx.msk [tilespmem:v1+s17+$0xFFFFFC50 ss:$0x1], $0xffff;
	[tilespmem:v0+s17+$0x0 ss:$0x1] =	vst.idx.msk $0xffff, v2  }
0x2b: {  	v9 =	vld.idx.msk [tilespmem:v1+s17+$0xFFFFFC60 ss:$0x1], $0xffff;
	[tilespmem:v0+s17+$0xFFFFFB90 ss:$0x1] =	vst.idx.msk $0xffff, v3  }
0x2c: {  	v10 =	vld.idx.msk [tilespmem:v1+s17+$0xFFFFFC70 ss:$0x1], $0xffff;
	[tilespmem:v0+s17+$0xFFFFFBA0 ss:$0x1] =	vst.idx.msk $0xffff, v4  }
0x2d: {  	v11 =	vld.idx.msk [tilespmem:v1+s17+$0x0 ss:$0x1], $0xffff;
	[tilespmem:v0+s17+$0xFFFFFBB0 ss:$0x1] =	vst.idx.msk $0xffff, v5  }
0x2e: {  	[tilespmem:v0+s17+$0xFFFFFBC0 ss:$0x1] =	vst.idx.msk $0xffff, v6;
	v2 =	vld.idx.msk [tilespmem:v1+s17+$0x10 ss:$0x1], $0xffff  }
0x2f: {  	[tilespmem:v0+s17+$0xFFFFFBD0 ss:$0x1] =	vst.idx.msk $0xffff, v7;
	v3 =	vld.idx.msk [tilespmem:v1+s17+$0x20 ss:$0x1], $0xffff  }
0x30: {  	[tilespmem:v0+s17+$0xFFFFFBE0 ss:$0x1] =	vst.idx.msk $0xffff, v8;
	v4 =	vld.idx.msk [tilespmem:v1+s17+$0x30 ss:$0x1], $0xffff  }
0x31: {  	[tilespmem:v0+s17+$0xFFFFFBF0 ss:$0x1] =	vst.idx.msk $0xffff, v9;
	v5 =	vld.idx.msk [tilespmem:v1+s17+$0x40 ss:$0x1], $0xffff  }
0x32: {  	[tilespmem:v0+s17+$0xFFFFFC00 ss:$0x1] =	vst.idx.msk $0xffff, v10;
	v6 =	vld.idx.msk [tilespmem:v1+s17+$0x50 ss:$0x1], $0xffff  }
0x33: {  	s18 =	simm.s32 $0x80;
	s19 =	simm.s32 $0x400;
	[tilespmem:v0+s17+$0xFFFFFF90 ss:$0x1] =	vst.idx.msk $0xffff, v11;
	v7 =	vld.idx.msk [tilespmem:v1+s17+$0x60 ss:$0x1], $0xffff  }
.LBB1_4:
0x34: {  	p1 =	sne.s32 s19, $0xE00;
	v8 =	vld.idx.msk [tilespmem:v1+s18+$0x70 ss:$0x1], $0xffff;
	[tilespmem:v0+s17+$0xFFFFFFA0 ss:$0x1] =	vst.idx.msk $0xffff, v2  }
0x35: {  	v2 =	vld.idx.msk [tilespmem:v1+s18+$0xFFFFFC00 ss:$0x1], $0xffff;
	[tilespmem:v0+s17+$0xFFFFFFB0 ss:$0x1] =	vst.idx.msk $0xffff, v3  }
0x36: {  	v3 =	vld.idx.msk [tilespmem:v1+s18+$0xFFFFFC10 ss:$0x1], $0xffff;
	[tilespmem:v0+s17+$0xFFFFFFC0 ss:$0x1] =	vst.idx.msk $0xffff, v4  }
0x37: {  	v4 =	vld.idx.msk [tilespmem:v1+s18+$0xFFFFFC20 ss:$0x1], $0xffff;
	[tilespmem:v0+s17+$0xFFFFFFD0 ss:$0x1] =	vst.idx.msk $0xffff, v5  }
0x38: {  	v5 =	vld.idx.msk [tilespmem:v1+s18+$0xFFFFFC30 ss:$0x1], $0xffff;
	[tilespmem:v0+s17+$0xFFFFFFE0 ss:$0x1] =	vst.idx.msk $0xffff, v6  }
0x39: {  	v6 =	vld.idx.msk [tilespmem:v1+s18+$0xFFFFFC40 ss:$0x1], $0xffff;
	[tilespmem:v0+s17+$0xFFFFFFF0 ss:$0x1] =	vst.idx.msk $0xffff, v7;
	s17 =	smov.u32 s18  }
0x3a: {  	v7 =	vld.idx.msk [tilespmem:v1+s17+$0xFFFFFC50 ss:$0x1], $0xffff;
	[tilespmem:v0+s17+$0x0 ss:$0x1] =	vst.idx.msk $0xffff, v8  }
0x3b: {  	[tilespmem:v0+s17+$0xFFFFFB90 ss:$0x1] =	vst.idx.msk $0xffff, v2;
	v8 =	vld.idx.msk [tilespmem:v1+s17+$0xFFFFFC60 ss:$0x1], $0xffff  }
0x3c: {  	[tilespmem:v0+s17+$0xFFFFFBA0 ss:$0x1] =	vst.idx.msk $0xffff, v3;
	v9 =	vld.idx.msk [tilespmem:v1+s17+$0xFFFFFC70 ss:$0x1], $0xffff  }
0x3d: {  	[tilespmem:v0+s17+$0xFFFFFBB0 ss:$0x1] =	vst.idx.msk $0xffff, v4;
	v10 =	vld.idx.msk [tilespmem:v1+s17+$0x0 ss:$0x1], $0xffff  }
0x3e: {  	[tilespmem:v0+s17+$0xFFFFFBC0 ss:$0x1] =	vst.idx.msk $0xffff, v5;
	v2 =	vld.idx.msk [tilespmem:v1+s17+$0x10 ss:$0x1], $0xffff  }
.Ltmp3:
0x3f: {  	[tilespmem:v0+s17+$0xFFFFFBD0 ss:$0x1] =	vst.idx.msk $0xffff, v6;
	v3 =	vld.idx.msk [tilespmem:v1+s17+$0x20 ss:$0x1], $0xffff;
	(pc) =	sbr.rel @p1 .LBB1_4-.Ltmp3, $4  }
0x40: {  	[tilespmem:v0+s17+$0xFFFFFBE0 ss:$0x1] =	vst.idx.msk $0xffff, v7;
	v4 =	vld.idx.msk [tilespmem:v1+s17+$0x30 ss:$0x1], $0xffff  }
0x41: {  	[tilespmem:v0+s17+$0xFFFFFBF0 ss:$0x1] =	vst.idx.msk $0xffff, v8;
	v5 =	vld.idx.msk [tilespmem:v1+s17+$0x40 ss:$0x1], $0xffff  }
0x42: {  	[tilespmem:v0+s17+$0xFFFFFC00 ss:$0x1] =	vst.idx.msk $0xffff, v9;
	v6 =	vld.idx.msk [tilespmem:v1+s17+$0x50 ss:$0x1], $0xffff  }
0x43: {  	s18 =	sshra.s32 s19, $0x2;
	s19 =	sadd.s32 $0x200, s19;
	[tilespmem:v0+s17+$0xFFFFFF90 ss:$0x1] =	vst.idx.msk $0xffff, v10;
	v7 =	vld.idx.msk [tilespmem:v1+s17+$0x60 ss:$0x1], $0xffff  }
0x44: {  	_ =	sdelay $0x3  }
0x45: {  	[tilespmem:v0+s17+$0xFFFFFFA0 ss:$0x1] =	vst.idx.msk $0xffff, v2  }
0x46: {  	v48 =	vld.idx.msk [tilespmem:v1+s18+$0x70 ss:$0x1], $0xffff;
	[tilespmem:v0+s17+$0xFFFFFFB0 ss:$0x1] =	vst.idx.msk $0xffff, v3  }
0x47: {  	v49 =	vld.idx.msk [tilespmem:v1+s18+$0xFFFFFC00 ss:$0x1], $0xffff;
	[tilespmem:v0+s17+$0xFFFFFFC0 ss:$0x1] =	vst.idx.msk $0xffff, v4  }
0x48: {  	v50 =	vld.idx.msk [tilespmem:v1+s18+$0xFFFFFC10 ss:$0x1], $0xffff;
	[tilespmem:v0+s17+$0xFFFFFFD0 ss:$0x1] =	vst.idx.msk $0xffff, v5  }
0x49: {  	v51 =	vld.idx.msk [tilespmem:v1+s18+$0xFFFFFC20 ss:$0x1], $0xffff;
	[tilespmem:v0+s17+$0xFFFFFFE0 ss:$0x1] =	vst.idx.msk $0xffff, v6  }
0x4a: {  	v52 =	vld.idx.msk [tilespmem:v1+s18+$0xFFFFFC30 ss:$0x1], $0xffff;
	[tilespmem:v0+s17+$0xFFFFFFF0 ss:$0x1] =	vst.idx.msk $0xffff, v7  }
0x4b: {  	v53 =	vld.idx.msk [tilespmem:v1+s18+$0xFFFFFC40 ss:$0x1], $0xffff;
	[tilespmem:v0+s18+$0x0 ss:$0x1] =	vst.idx.msk $0xffff, v48  }
0x4c: {  	v54 =	vld.idx.msk [tilespmem:v1+s18+$0xFFFFFC50 ss:$0x1], $0xffff;
	[tilespmem:v0+s18+$0xFFFFFB90 ss:$0x1] =	vst.idx.msk $0xffff, v49  }
0x4d: {  	v55 =	vld.idx.msk [tilespmem:v1+s18+$0xFFFFFC60 ss:$0x1], $0xffff;
	[tilespmem:v0+s18+$0xFFFFFBA0 ss:$0x1] =	vst.idx.msk $0xffff, v50  }
0x4e: {  	v56 =	vld.idx.msk [tilespmem:v1+s18+$0xFFFFFC70 ss:$0x1], $0xffff;
	[tilespmem:v0+s18+$0xFFFFFBB0 ss:$0x1] =	vst.idx.msk $0xffff, v51  }
0x4f: {  	v57 =	vld.idx.msk [tilespmem:v1+s18+$0x0 ss:$0x1], $0xffff;
	[tilespmem:v0+s18+$0xFFFFFBC0 ss:$0x1] =	vst.idx.msk $0xffff, v52  }
0x50: {  	v58 =	vld.idx.msk [tilespmem:v1+s18+$0x10 ss:$0x1], $0xffff;
	[tilespmem:v0+s18+$0xFFFFFBD0 ss:$0x1] =	vst.idx.msk $0xffff, v53  }
0x51: {  	v59 =	vld.idx.msk [tilespmem:v1+s18+$0x20 ss:$0x1], $0xffff;
	[tilespmem:v0+s18+$0xFFFFFBE0 ss:$0x1] =	vst.idx.msk $0xffff, v54  }
0x52: {  	v60 =	vld.idx.msk [tilespmem:v1+s18+$0x30 ss:$0x1], $0xffff;
	[tilespmem:v0+s18+$0xFFFFFBF0 ss:$0x1] =	vst.idx.msk $0xffff, v55  }
0x53: {  	v61 =	vld.idx.msk [tilespmem:v1+s18+$0x40 ss:$0x1], $0xffff;
	[tilespmem:v0+s18+$0xFFFFFC00 ss:$0x1] =	vst.idx.msk $0xffff, v56  }
0x54: {  	v62 =	vld.idx.msk [tilespmem:v1+s18+$0x50 ss:$0x1], $0xffff;
	s16 =	sadd.s32 $0x1, s16;
	[tilespmem:v0+s18+$0xFFFFFF90 ss:$0x1] =	vst.idx.msk $0xffff, v57  }
0x55: {  	v63 =	vld.idx.msk [tilespmem:v1+s18+$0x60 ss:$0x1], $0xffff;
	p1 =	sne.s32 s16, $0x8;
	[tilespmem:v0+s18+$0xFFFFFFA0 ss:$0x1] =	vst.idx.msk $0xffff, v58  }
.Ltmp4:
0x56: {  	[tilespmem:v0+s18+$0xFFFFFFB0 ss:$0x1] =	vst.idx.msk $0xffff, v59;
	(pc) =	sbr.rel @p1 .LBB1_3-.Ltmp4, $4  }
0x57: {  	[tilespmem:v0+s18+$0xFFFFFFC0 ss:$0x1] =	vst.idx.msk $0xffff, v60  }
0x58: {  	[tilespmem:v0+s18+$0xFFFFFFD0 ss:$0x1] =	vst.idx.msk $0xffff, v61  }
0x59: {  	[tilespmem:v0+s18+$0xFFFFFFE0 ss:$0x1] =	vst.idx.msk $0xffff, v62  }
0x5a: {  	s13 =	sadd.s32 $0x800, s13;
	s15 =	sadd.s32 $0x800, s15;
	[tilespmem:v0+s18+$0xFFFFFFF0 ss:$0x1] =	vst.idx.msk $0xffff, v63  }
.Ltmp5:
0x5b: {  	(pc) =	sbr.rel .LBB1_7-.Ltmp5, $4  }
0x5c: {  	s12 =	sshll.u32 s12, $0xF  }
0x5d: {  	s11 =	sshll.u32 s11, $0x8;
	s12 =	sadd.s32 s2, s12  }
0x5e: {  	s11 =	sadd.s32 s11, s12  }
0x5f: {  	[hbm4b:s11+s6] =	stream.strided.scatter [tilespmem:s14], [sflag:$0x2], $0x4000, s7, s6, $0x38;
	[tilespmem:$0x10000] =	vst v63  }
.LBB1_8:
0x60: {  	_ =	sfence.sel $0x180000  }
0x61: {  	s2 =	simm.s32 $0x1;
	[bflag:$0x0] =	sbarrier.arrive $0xFFFF  }
0x62: {  	s31 =	simm.s32 $0x2;
	[sflag:s2] =	ssyncpa.u1 $0x1  }
0x63: {  	[sflag:s31] =	ssyncpa.u1 $0x1  }
0x64: {  	p0 =	sne.s32 s1, $0x0;
	_ =	strace $0x90000047  }
0x65: {  	s0 =	sadd.s32 @!p0 $0x100000, s0;
	[bflag:$0x2] =	sbarrier.arrive $0xFFFF  }
0x66: {  	[sflag:s0] =	ssyncadd.tile.s32 @!p0 $0x1;
	_ =	shalt  }
.Lfunc_end1:
_tile_overlayer_lowered:
.L_overlay_start_2:
0x67: {  	(tag) =	ssettag $0x2  }
0x68: {  	s0 =	rddreg [dreg:$0x0];
	s2 =	stileid.u32  }
0x69: {  	s1 =	rddreg [dreg:$0x1];
	p0 =	sne.s32 s2, $0x0  }
0x6a: {  	s3 =	rddreg [dreg:$0x2];
	[bflag:$0x3] =	sbarrier.arrive $0xFFFF;
	s2 =	simm.s32 @!p0 $0x1C01  }
0x6b: {  	[timem:s3], [sflag:s2] =	dma.local @!p0 [hbm:s0], s1  }
0x6c: {  	s0 =	simm.s32 @!p0 $0x1  }
0x6d: {  	_ =	swait.ge @!p0 [sflag:s0], s1  }
0x6e: {  	s1 =	ssub.s32 @!p0 $0x0, s1;
	[sflag:s0] =	ssyncset.done @!p0 $0x0  }
0x6f: {  	[sflag:s0] =	ssyncadd.s32 @!p0 s1  }
0x70: {  	[bflag:$0x3] =	sbarrier.arrive $0xFFFF  }
0x71: {  	_ =	shalt  }

</sc_bundles>
